<compile_context>
chip_gen: v7x
topology: tpu7x:2x2x1
jax: 0.10.2.dev20260603
libtpu: 0.0.44.dev20260713+nightly
codegen_flags: <defaults>
</compile_context>

<pallas_src>
import functools

import jax
import jax.numpy as jnp
from jax import lax
from jax.experimental import pallas as pl
from jax.experimental.pallas import tpu as pltpu
from jax.experimental.pallas import tpu_sc as plsc

N = 10000
E = 320000
D = 128

NC = 2
DH = D // NC
NS = 16
EPW = E // NS
K = 125
CH = EPW // K
NBUF = 5
RPT = 624


def _agg_body(edge_hbm, x_hbm, out_hbm, row_v, col_v, bufs, acc,
              gsems, ssems):
    c = lax.axis_index("c")
    s = lax.axis_index("s")
    x_view = x_hbm.at[pl.ds(c, 2 * N - 1)]

    pltpu.sync_copy(edge_hbm.at[0, s], row_v)
    pltpu.sync_copy(edge_hbm.at[1, s], col_v)

    for b in range(1, NBUF):
        pltpu.async_copy(x_view.at[col_v.at[b]], bufs.at[b], gsems.at[b])

    zero16 = jnp.zeros((16,), jnp.float32)

    def zrow(r, carry):
        for cc in range(DH // 16):
            bufs[0, r, pl.ds(cc * 16, 16)] = zero16
        return carry

    lax.fori_loop(0, K, zrow, 0)
    base = s * RPT
    for t in range(4):
        pltpu.sync_copy(bufs.at[0], acc.at[pl.ds(base + t * K, K)])
    pltpu.sync_copy(bufs.at[0].at[pl.ds(0, RPT - 4 * K)],
                    acc.at[pl.ds(base + 4 * K, RPT - 4 * K)])

    @pl.when(s == NS - 1)
    def _():
        pltpu.sync_copy(bufs.at[0].at[pl.ds(0, 16)],
                        acc.at[pl.ds(base + RPT, 16)])

    pltpu.async_copy(x_view.at[col_v.at[0]], bufs.at[0], gsems.at[0])
    plsc.subcore_barrier()

    def _wait_gather(b, j):
        pltpu.make_async_copy(x_view.at[col_v.at[j]], bufs.at[b],
                              gsems.at[b]).wait()

    def _round(g, carry):
        j0 = g * NBUF
        for b in range(NBUF):
            _wait_gather(b, j0 + b)
            pltpu.async_copy(bufs.at[b], acc.at[row_v.at[j0 + b]],
                             ssems.at[b], add=True)
        for b in range(NBUF):
            pltpu.make_async_copy(bufs.at[b], acc.at[row_v.at[j0 + b]],
                                  ssems.at[b]).wait()
            pltpu.async_copy(x_view.at[col_v.at[j0 + NBUF + b]], bufs.at[b],
                             gsems.at[b])
        return carry

    lax.fori_loop(0, CH // NBUF - 1, _round, 0)
    j0 = CH - NBUF
    for b in range(NBUF):
        _wait_gather(b, j0 + b)
        pltpu.async_copy(bufs.at[b], acc.at[row_v.at[j0 + b]],
                         ssems.at[b], add=True)
    for b in range(NBUF):
        pltpu.make_async_copy(bufs.at[b], acc.at[row_v.at[j0 + b]],
                              ssems.at[b]).wait()

    plsc.subcore_barrier()

    @pl.when(s < NS - 1)
    def _():
        pltpu.sync_copy(acc.at[pl.ds(base, RPT)],
                        out_hbm.at[c, pl.ds(base, RPT)])

    @pl.when(s == NS - 1)
    def _():
        pltpu.sync_copy(acc.at[pl.ds(base, RPT + 16)],
                        out_hbm.at[c, pl.ds(base, RPT + 16)])


_agg = functools.partial(
    pl.kernel,
    mesh=plsc.VectorSubcoreMesh(core_axis_name="c", subcore_axis_name="s",
                                num_cores=NC),
    out_type=jax.ShapeDtypeStruct((NC, N, DH), jnp.float32),
    compiler_params=pltpu.CompilerParams(use_tc_tiling_on_sc=False),
    scratch_types=[
        pltpu.VMEM((CH, K), jnp.int32),
        pltpu.VMEM((CH, K), jnp.int32),
        pltpu.VMEM((NBUF, K, DH), jnp.float32),
        pltpu.VMEM_SHARED((N, DH), jnp.float32),
        pltpu.SemaphoreType.DMA((NBUF,)),
        pltpu.SemaphoreType.DMA((NBUF,)),
    ],
)(_agg_body)


def _mlp_body(eps_ref, x_ref, p_ref, w1_ref, b1_ref, g_ref, bt_ref, w2_ref,
              b2_ref, o_ref):
    xt = x_ref[...]
    p0t = p_ref[0]
    p1t = p_ref[1]
    scale = 1.0 + eps_ref[0, 0]
    ne = jnp.concatenate([p0t[:, :DH], p1t[:, :DH]], axis=1)
    no = jnp.concatenate([p0t[:, DH:], p1t[:, DH:]], axis=1)
    agg_e = scale * xt[:, :D] + ne
    agg_o = scale * xt[:, D:] + no
    he = lax.dot_general(agg_e, w1_ref[...], (((1,), (1,)), ((), ())),
                         preferred_element_type=jnp.float32) + b1_ref[...]
    ho = lax.dot_general(agg_o, w1_ref[...], (((1,), (1,)), ((), ())),
                         preferred_element_type=jnp.float32) + b1_ref[...]
    mu = (jnp.sum(he, axis=0, keepdims=True)
          + jnp.sum(ho, axis=0, keepdims=True)) * (1.0 / N)
    ce = he - mu
    co = ho - mu
    var = (jnp.sum(ce * ce, axis=0, keepdims=True)
           + jnp.sum(co * co, axis=0, keepdims=True)) * (1.0 / N)
    inv = lax.rsqrt(var + 1e-5) * g_ref[...]
    h2e = jnp.maximum(ce * inv + bt_ref[...], 0.0)
    h2o = jnp.maximum(co * inv + bt_ref[...], 0.0)
    ye = lax.dot_general(h2e, w2_ref[...], (((1,), (1,)), ((), ())),
                         preferred_element_type=jnp.float32) + b2_ref[...]
    yo = lax.dot_general(h2o, w2_ref[...], (((1,), (1,)), ((), ())),
                         preferred_element_type=jnp.float32) + b2_ref[...]
    o_ref[...] = jnp.concatenate([ye, yo], axis=1)


def kernel(x, edge_index, eps, W1, b1, gamma, beta, W2, b2):
    edge2 = (edge_index.reshape(2, NS, CH, K)
             * jnp.array([1, 2], dtype=edge_index.dtype).reshape(2, 1, 1, 1))
    partials = _agg(edge2, x.reshape(NC * N, DH))
    yt = pl.pallas_call(
        _mlp_body,
        out_shape=jax.ShapeDtypeStruct((N // 2, 2 * D), jnp.float32),
        in_specs=[pl.BlockSpec(memory_space=pltpu.SMEM)]
        + [pl.BlockSpec(memory_space=pltpu.VMEM)] * 8,
    )(eps.reshape(1, 1), x.reshape(N // 2, 2 * D),
      partials.reshape(2, N // 2, D), W1, b1.reshape(1, D),
      gamma.reshape(1, D), beta.reshape(1, D), W2, b2.reshape(1, D))
    return yt.reshape(N, D)

# --- scband reference (transcript-rebuilt; emitter-appended) ---
"""Pipeline reference for scband-ginlayer-83167746719884 (READ-ONLY COPY).

The authoritative reference and input builder live on the scoring server;
editing this copy changes nothing except your own understanding.
"""

import jax, jax.numpy as jnp
import numpy as np

N, E, D = 10000, 320000, 128

def setup_inputs(seed: int = 0) -> dict:
    key = jax.random.key(seed)
    ks = jax.random.split(key, 8)
    x = jax.random.normal(ks[0], (N, D), dtype=jnp.float32)
    edge_index = jax.random.randint(ks[1], (2, E), 0, N, dtype=jnp.int32)
    s = 1.0 / np.sqrt(D)
    W1 = jax.random.uniform(ks[2], (D, D), dtype=jnp.float32, minval=-s, maxval=s)
    b1 = jax.random.uniform(ks[3], (D,), dtype=jnp.float32, minval=-s, maxval=s)
    gamma = jnp.ones((D,), dtype=jnp.float32)
    beta = jnp.zeros((D,), dtype=jnp.float32)
    W2 = jax.random.uniform(ks[4], (D, D), dtype=jnp.float32, minval=-s, maxval=s)
    b2 = jax.random.uniform(ks[5], (D,), dtype=jnp.float32, minval=-s, maxval=s)
    eps = jnp.zeros((1,), dtype=jnp.float32)
    return {"x": x, "edge_index": edge_index, "eps": eps, "W1": W1, "b1": b1, "gamma": gamma, "beta": beta, "W2": W2, "b2": b2}

def reference(x, edge_index, eps, W1, b1, gamma, beta, W2, b2):
    row, col = edge_index[0], edge_index[1]
    # scatter-add aggregation: neighbor_sum[row] += x[col]
    neighbor_sum = jnp.zeros_like(x).at[row].add(x[col])
    out = (1.0 + eps) * x + neighbor_sum
    # MLP: Linear -> BatchNorm1d (training-mode batch stats) -> ReLU -> Linear
    h = out @ W1.T + b1
    mean = jnp.mean(h, axis=0)
    var = jnp.var(h, axis=0)
    hn = (h - mean) / jnp.sqrt(var + 1e-5) * gamma + beta
    h2 = jax.nn.relu(hn)
    return h2 @ W2.T + b2

if __name__ == "__main__":
    import jax
    _d = setup_inputs()
    print(jax.jit(kernel)(*tuple(_d.values())))

</pallas_src>

<mosaic_0001>
#map = affine_map<(d0, d1) -> (0, 0, 0, 0)>
#map1 = affine_map<(d0, d1) -> (0, 0)>
#map2 = affine_map<(d0, d1) -> (0, 0, 0)>
module attributes {stable_mosaic.version = 14 : i64} {
  func.func @_agg_body(%arg0: i32, %arg1: i32, %arg2: memref<2x16x160x125xi32, #tpu.memory_space<hbm>>, %arg3: memref<20000x64xf32, #tpu.memory_space<hbm>>, %arg4: memref<2x10000x64xf32, #tpu.memory_space<hbm>>, %arg5: memref<160x125xi32, #tpu.memory_space<vmem>>, %arg6: memref<160x125xi32, #tpu.memory_space<vmem>>, %arg7: memref<5x125x64xf32, #tpu.memory_space<vmem>>, %arg8: memref<10000x64xf32, #tpu.memory_space<vmem_shared>>, %arg9: memref<5x!tpu.dma_semaphore, #tpu.memory_space<semaphore_mem>>, %arg10: memref<5x!tpu.dma_semaphore, #tpu.memory_space<semaphore_mem>>) attributes {dimension_semantics = [#tpu.dimension_semantics<core_parallel>, #tpu.dimension_semantics<subcore_parallel>], iteration_bounds = array<i64: 2, 16>, scalar_prefetch = 0 : i64, scratch_operands = 6 : i64, tpu.core_type = #tpu.core_type<sc_vector_subcore>, window_params = [{transform_indices = #map}, {transform_indices = #map1}, {transform_indices = #map2}]} {
    %run_scoped3A = arith.constant 0 : i32
    "tpu.region"() ({
      %run_scoped3A_358 = tpu.sem_alloc : memref<!tpu.dma_semaphore, #tpu.memory_space<semaphore_mem>>
      %dma_start3A_359 = arith.constant 0 : i32
      %dma_start3A_360 = arith.constant 0 : i32
      %dma_start3A_361 = tpu.memref_slice %arg2[%run_scoped3A, %arg1, %dma_start3A_359, %dma_start3A_360] : memref<2x16x160x125xi32, #tpu.memory_space<hbm>> -> memref<1x1x160x125xi32, #tpu.memory_space<hbm>>
      %dma_start3A_362 = tpu.memref_squeeze %dma_start3A_361 : memref<1x1x160x125xi32, #tpu.memory_space<hbm>> -> memref<160x125xi32, #tpu.memory_space<hbm>>
      %dma_start3A_363 = arith.constant 0 : i32
      %dma_start3A_364 = arith.constant 0 : i32
      %dma_start3A_365 = tpu.memref_slice %arg2[%run_scoped3A, %arg1, %dma_start3A_363, %dma_start3A_364] : memref<2x16x160x125xi32, #tpu.memory_space<hbm>> -> memref<1x1x160x125xi32, #tpu.memory_space<hbm>>
      %dma_start3A_366 = tpu.memref_squeeze %dma_start3A_365 : memref<1x1x160x125xi32, #tpu.memory_space<hbm>> -> memref<160x125xi32, #tpu.memory_space<hbm>>
      tpu.enqueue_dma source(%dma_start3A_366 : memref<160x125xi32, #tpu.memory_space<hbm>>) target(%arg5 : memref<160x125xi32, #tpu.memory_space<vmem>>) target_semaphore(%run_scoped3A_358 : memref<!tpu.dma_semaphore, #tpu.memory_space<semaphore_mem>>)
      %dma_wait3A_367 = arith.constant 0 : i32
      %dma_wait3A_368 = arith.constant 0 : i32
      %dma_wait3A_369 = tpu.memref_slice %arg2[%run_scoped3A, %arg1, %dma_wait3A_367, %dma_wait3A_368] : memref<2x16x160x125xi32, #tpu.memory_space<hbm>> -> memref<1x1x160x125xi32, #tpu.memory_space<hbm>>
      %dma_wait3A_370 = tpu.memref_squeeze %dma_wait3A_369 : memref<1x1x160x125xi32, #tpu.memory_space<hbm>> -> memref<160x125xi32, #tpu.memory_space<hbm>>
      %dma_wait3A_371 = arith.constant 0 : i32
      %dma_wait3A_372 = arith.constant 0 : i32
      %dma_wait3A_373 = tpu.memref_slice %arg2[%run_scoped3A, %arg1, %dma_wait3A_371, %dma_wait3A_372] : memref<2x16x160x125xi32, #tpu.memory_space<hbm>> -> memref<1x1x160x125xi32, #tpu.memory_space<hbm>>
      %dma_wait3A_374 = tpu.memref_squeeze %dma_wait3A_373 : memref<1x1x160x125xi32, #tpu.memory_space<hbm>> -> memref<160x125xi32, #tpu.memory_space<hbm>>
      tpu.wait_dma2 semaphore(%run_scoped3A_358 : memref<!tpu.dma_semaphore, #tpu.memory_space<semaphore_mem>>) src(%dma_wait3A_374 : memref<160x125xi32, #tpu.memory_space<hbm>>) dst(%arg5 : memref<160x125xi32, #tpu.memory_space<vmem>>)
      tpu.yield
    }) : () -> ()
    %run_scoped3A_0 = arith.constant 1 : i32
    "tpu.region"() ({
      %run_scoped3A_358 = tpu.sem_alloc : memref<!tpu.dma_semaphore, #tpu.memory_space<semaphore_mem>>
      %dma_start3A_359 = arith.constant 0 : i32
      %dma_start3A_360 = arith.constant 0 : i32
      %dma_start3A_361 = tpu.memref_slice %arg2[%run_scoped3A_0, %arg1, %dma_start3A_359, %dma_start3A_360] : memref<2x16x160x125xi32, #tpu.memory_space<hbm>> -> memref<1x1x160x125xi32, #tpu.memory_space<hbm>>
      %dma_start3A_362 = tpu.memref_squeeze %dma_start3A_361 : memref<1x1x160x125xi32, #tpu.memory_space<hbm>> -> memref<160x125xi32, #tpu.memory_space<hbm>>
      %dma_start3A_363 = arith.constant 0 : i32
      %dma_start3A_364 = arith.constant 0 : i32
      %dma_start3A_365 = tpu.memref_slice %arg2[%run_scoped3A_0, %arg1, %dma_start3A_363, %dma_start3A_364] : memref<2x16x160x125xi32, #tpu.memory_space<hbm>> -> memref<1x1x160x125xi32, #tpu.memory_space<hbm>>
      %dma_start3A_366 = tpu.memref_squeeze %dma_start3A_365 : memref<1x1x160x125xi32, #tpu.memory_space<hbm>> -> memref<160x125xi32, #tpu.memory_space<hbm>>
      tpu.enqueue_dma source(%dma_start3A_366 : memref<160x125xi32, #tpu.memory_space<hbm>>) target(%arg6 : memref<160x125xi32, #tpu.memory_space<vmem>>) target_semaphore(%run_scoped3A_358 : memref<!tpu.dma_semaphore, #tpu.memory_space<semaphore_mem>>)
      %dma_wait3A_367 = arith.constant 0 : i32
      %dma_wait3A_368 = arith.constant 0 : i32
      %dma_wait3A_369 = tpu.memref_slice %arg2[%run_scoped3A_0, %arg1, %dma_wait3A_367, %dma_wait3A_368] : memref<2x16x160x125xi32, #tpu.memory_space<hbm>> -> memref<1x1x160x125xi32, #tpu.memory_space<hbm>>
      %dma_wait3A_370 = tpu.memref_squeeze %dma_wait3A_369 : memref<1x1x160x125xi32, #tpu.memory_space<hbm>> -> memref<160x125xi32, #tpu.memory_space<hbm>>
      %dma_wait3A_371 = arith.constant 0 : i32
      %dma_wait3A_372 = arith.constant 0 : i32
      %dma_wait3A_373 = tpu.memref_slice %arg2[%run_scoped3A_0, %arg1, %dma_wait3A_371, %dma_wait3A_372] : memref<2x16x160x125xi32, #tpu.memory_space<hbm>> -> memref<1x1x160x125xi32, #tpu.memory_space<hbm>>
      %dma_wait3A_374 = tpu.memref_squeeze %dma_wait3A_373 : memref<1x1x160x125xi32, #tpu.memory_space<hbm>> -> memref<160x125xi32, #tpu.memory_space<hbm>>
      tpu.wait_dma2 semaphore(%run_scoped3A_358 : memref<!tpu.dma_semaphore, #tpu.memory_space<semaphore_mem>>) src(%dma_wait3A_374 : memref<160x125xi32, #tpu.memory_space<hbm>>) dst(%arg6 : memref<160x125xi32, #tpu.memory_space<vmem>>)
      tpu.yield
    }) : () -> ()
    %dma_start3A = arith.constant 1 : i32
    %dma_start3A_1 = arith.constant 1 : i32
    %dma_start3A_2 = arith.constant 1 : i32
    %dma_start3A_3 = arith.constant 0 : i32
    %dma_start3A_4 = arith.constant 0 : i32
    %dma_start3A_5 = tpu.memref_slice %arg7[%dma_start3A_1, %dma_start3A_3, %dma_start3A_4] : memref<5x125x64xf32, #tpu.memory_space<vmem>> -> memref<1x125x64xf32, #tpu.memory_space<vmem>>
    %dma_start3A_6 = tpu.memref_squeeze %dma_start3A_5 : memref<1x125x64xf32, #tpu.memory_space<vmem>> -> memref<125x64xf32, #tpu.memory_space<vmem>>
    %dma_start3A_7 = arith.constant 0 : i32
    %dma_start3A_8 = tpu.memref_slice %arg6[%dma_start3A, %dma_start3A_7] : memref<160x125xi32, #tpu.memory_space<vmem>> -> memref<1x125xi32, #tpu.memory_space<vmem>>
    %dma_start3A_9 = tpu.memref_squeeze %dma_start3A_8 : memref<1x125xi32, #tpu.memory_space<vmem>> -> memref<125xi32, #tpu.memory_space<vmem>>
    %dma_start3A_10 = arith.constant 0 : i32
    %dma_start3A_11 = tpu.memref_slice %arg3[%arg0, %dma_start3A_10] : memref<20000x64xf32, #tpu.memory_space<hbm>> -> memref<19999x64xf32, #tpu.memory_space<hbm>>
    %dma_start3A_12 = arith.constant 0 : i32
    %dma_start3A_13 = arith.constant 0 : i32
    %dma_start3A_14 = tpu.memref_slice %dma_start3A_11[%dma_start3A_12, %dma_start3A_13] : memref<19999x64xf32, #tpu.memory_space<hbm>> -> memref<19999x64xf32, #tpu.memory_space<hbm>>
    %dma_start3A_15 = tpu.memref_slice %arg9[%dma_start3A_2] : memref<5x!tpu.dma_semaphore, #tpu.memory_space<semaphore_mem>> -> memref<1x!tpu.dma_semaphore, #tpu.memory_space<semaphore_mem>>
    %dma_start3A_16 = tpu.memref_squeeze %dma_start3A_15 : memref<1x!tpu.dma_semaphore, #tpu.memory_space<semaphore_mem>> -> memref<!tpu.dma_semaphore, #tpu.memory_space<semaphore_mem>>
    tpu.enqueue_indirect_dma source(%dma_start3A_14 : memref<19999x64xf32, #tpu.memory_space<hbm>>) target(%dma_start3A_6 : memref<125x64xf32, #tpu.memory_space<vmem>>) offsets(%dma_start3A_9 : memref<125xi32, #tpu.memory_space<vmem>>) semaphore(%dma_start3A_16 : memref<!tpu.dma_semaphore, #tpu.memory_space<semaphore_mem>>)
    %dma_start3A_17 = arith.constant 2 : i32
    %dma_start3A_18 = arith.constant 2 : i32
    %dma_start3A_19 = arith.constant 2 : i32
    %dma_start3A_20 = arith.constant 0 : i32
    %dma_start3A_21 = arith.constant 0 : i32
    %dma_start3A_22 = tpu.memref_slice %arg7[%dma_start3A_18, %dma_start3A_20, %dma_start3A_21] : memref<5x125x64xf32, #tpu.memory_space<vmem>> -> memref<1x125x64xf32, #tpu.memory_space<vmem>>
    %dma_start3A_23 = tpu.memref_squeeze %dma_start3A_22 : memref<1x125x64xf32, #tpu.memory_space<vmem>> -> memref<125x64xf32, #tpu.memory_space<vmem>>
    %dma_start3A_24 = arith.constant 0 : i32
    %dma_start3A_25 = tpu.memref_slice %arg6[%dma_start3A_17, %dma_start3A_24] : memref<160x125xi32, #tpu.memory_space<vmem>> -> memref<1x125xi32, #tpu.memory_space<vmem>>
    %dma_start3A_26 = tpu.memref_squeeze %dma_start3A_25 : memref<1x125xi32, #tpu.memory_space<vmem>> -> memref<125xi32, #tpu.memory_space<vmem>>
    %dma_start3A_27 = arith.constant 0 : i32
    %dma_start3A_28 = tpu.memref_slice %arg3[%arg0, %dma_start3A_27] : memref<20000x64xf32, #tpu.memory_space<hbm>> -> memref<19999x64xf32, #tpu.memory_space<hbm>>
    %dma_start3A_29 = arith.constant 0 : i32
    %dma_start3A_30 = arith.constant 0 : i32
    %dma_start3A_31 = tpu.memref_slice %dma_start3A_28[%dma_start3A_29, %dma_start3A_30] : memref<19999x64xf32, #tpu.memory_space<hbm>> -> memref<19999x64xf32, #tpu.memory_space<hbm>>
    %dma_start3A_32 = tpu.memref_slice %arg9[%dma_start3A_19] : memref<5x!tpu.dma_semaphore, #tpu.memory_space<semaphore_mem>> -> memref<1x!tpu.dma_semaphore, #tpu.memory_space<semaphore_mem>>
    %dma_start3A_33 = tpu.memref_squeeze %dma_start3A_32 : memref<1x!tpu.dma_semaphore, #tpu.memory_space<semaphore_mem>> -> memref<!tpu.dma_semaphore, #tpu.memory_space<semaphore_mem>>
    tpu.enqueue_indirect_dma source(%dma_start3A_31 : memref<19999x64xf32, #tpu.memory_space<hbm>>) target(%dma_start3A_23 : memref<125x64xf32, #tpu.memory_space<vmem>>) offsets(%dma_start3A_26 : memref<125xi32, #tpu.memory_space<vmem>>) semaphore(%dma_start3A_33 : memref<!tpu.dma_semaphore, #tpu.memory_space<semaphore_mem>>)
    %dma_start3A_34 = arith.constant 3 : i32
    %dma_start3A_35 = arith.constant 3 : i32
    %dma_start3A_36 = arith.constant 3 : i32
    %dma_start3A_37 = arith.constant 0 : i32
    %dma_start3A_38 = arith.constant 0 : i32
    %dma_start3A_39 = tpu.memref_slice %arg7[%dma_start3A_35, %dma_start3A_37, %dma_start3A_38] : memref<5x125x64xf32, #tpu.memory_space<vmem>> -> memref<1x125x64xf32, #tpu.memory_space<vmem>>
    %dma_start3A_40 = tpu.memref_squeeze %dma_start3A_39 : memref<1x125x64xf32, #tpu.memory_space<vmem>> -> memref<125x64xf32, #tpu.memory_space<vmem>>
    %dma_start3A_41 = arith.constant 0 : i32
    %dma_start3A_42 = tpu.memref_slice %arg6[%dma_start3A_34, %dma_start3A_41] : memref<160x125xi32, #tpu.memory_space<vmem>> -> memref<1x125xi32, #tpu.memory_space<vmem>>
    %dma_start3A_43 = tpu.memref_squeeze %dma_start3A_42 : memref<1x125xi32, #tpu.memory_space<vmem>> -> memref<125xi32, #tpu.memory_space<vmem>>
    %dma_start3A_44 = arith.constant 0 : i32
    %dma_start3A_45 = tpu.memref_slice %arg3[%arg0, %dma_start3A_44] : memref<20000x64xf32, #tpu.memory_space<hbm>> -> memref<19999x64xf32, #tpu.memory_space<hbm>>
    %dma_start3A_46 = arith.constant 0 : i32
    %dma_start3A_47 = arith.constant 0 : i32
    %dma_start3A_48 = tpu.memref_slice %dma_start3A_45[%dma_start3A_46, %dma_start3A_47] : memref<19999x64xf32, #tpu.memory_space<hbm>> -> memref<19999x64xf32, #tpu.memory_space<hbm>>
    %dma_start3A_49 = tpu.memref_slice %arg9[%dma_start3A_36] : memref<5x!tpu.dma_semaphore, #tpu.memory_space<semaphore_mem>> -> memref<1x!tpu.dma_semaphore, #tpu.memory_space<semaphore_mem>>
    %dma_start3A_50 = tpu.memref_squeeze %dma_start3A_49 : memref<1x!tpu.dma_semaphore, #tpu.memory_space<semaphore_mem>> -> memref<!tpu.dma_semaphore, #tpu.memory_space<semaphore_mem>>
    tpu.enqueue_indirect_dma source(%dma_start3A_48 : memref<19999x64xf32, #tpu.memory_space<hbm>>) target(%dma_start3A_40 : memref<125x64xf32, #tpu.memory_space<vmem>>) offsets(%dma_start3A_43 : memref<125xi32, #tpu.memory_space<vmem>>) semaphore(%dma_start3A_50 : memref<!tpu.dma_semaphore, #tpu.memory_space<semaphore_mem>>)
    %dma_start3A_51 = arith.constant 4 : i32
    %dma_start3A_52 = arith.constant 4 : i32
    %dma_start3A_53 = arith.constant 4 : i32
    %dma_start3A_54 = arith.constant 0 : i32
    %dma_start3A_55 = arith.constant 0 : i32
    %dma_start3A_56 = tpu.memref_slice %arg7[%dma_start3A_52, %dma_start3A_54, %dma_start3A_55] : memref<5x125x64xf32, #tpu.memory_space<vmem>> -> memref<1x125x64xf32, #tpu.memory_space<vmem>>
    %dma_start3A_57 = tpu.memref_squeeze %dma_start3A_56 : memref<1x125x64xf32, #tpu.memory_space<vmem>> -> memref<125x64xf32, #tpu.memory_space<vmem>>
    %dma_start3A_58 = arith.constant 0 : i32
    %dma_start3A_59 = tpu.memref_slice %arg6[%dma_start3A_51, %dma_start3A_58] : memref<160x125xi32, #tpu.memory_space<vmem>> -> memref<1x125xi32, #tpu.memory_space<vmem>>
    %dma_start3A_60 = tpu.memref_squeeze %dma_start3A_59 : memref<1x125xi32, #tpu.memory_space<vmem>> -> memref<125xi32, #tpu.memory_space<vmem>>
    %dma_start3A_61 = arith.constant 0 : i32
    %dma_start3A_62 = tpu.memref_slice %arg3[%arg0, %dma_start3A_61] : memref<20000x64xf32, #tpu.memory_space<hbm>> -> memref<19999x64xf32, #tpu.memory_space<hbm>>
    %dma_start3A_63 = arith.constant 0 : i32
    %dma_start3A_64 = arith.constant 0 : i32
    %dma_start3A_65 = tpu.memref_slice %dma_start3A_62[%dma_start3A_63, %dma_start3A_64] : memref<19999x64xf32, #tpu.memory_space<hbm>> -> memref<19999x64xf32, #tpu.memory_space<hbm>>
    %dma_start3A_66 = tpu.memref_slice %arg9[%dma_start3A_53] : memref<5x!tpu.dma_semaphore, #tpu.memory_space<semaphore_mem>> -> memref<1x!tpu.dma_semaphore, #tpu.memory_space<semaphore_mem>>
    %dma_start3A_67 = tpu.memref_squeeze %dma_start3A_66 : memref<1x!tpu.dma_semaphore, #tpu.memory_space<semaphore_mem>> -> memref<!tpu.dma_semaphore, #tpu.memory_space<semaphore_mem>>
    tpu.enqueue_indirect_dma source(%dma_start3A_65 : memref<19999x64xf32, #tpu.memory_space<hbm>>) target(%dma_start3A_57 : memref<125x64xf32, #tpu.memory_space<vmem>>) offsets(%dma_start3A_60 : memref<125xi32, #tpu.memory_space<vmem>>) semaphore(%dma_start3A_67 : memref<!tpu.dma_semaphore, #tpu.memory_space<semaphore_mem>>)
    %broadcast_in_dim3A = arith.constant 0.000000e+00 : f32
    %broadcast_in_dim3A_68 = vector.broadcast %broadcast_in_dim3A : f32 to vector<16xf32>
    %scan3A = arith.constant 0 : i32
    %scan3A_69 = arith.constant 0 : i32
    %scan3A_70 = arith.constant 125 : i32
    %scan3A_71 = arith.addi %scan3A_69, %scan3A_70 : i32
    %scan3A_72 = arith.constant 1 : i32
    scf.for %scan3A_358 = %scan3A_69 to %scan3A_71 step %scan3A_72  : i32 {
      %swap3A = arith.constant 0 : i32
      %swap3A_359 = arith.index_cast %swap3A : i32 to index
      %swap3A_360 = arith.index_cast %scan3A_358 : i32 to index
      %swap3A_361 = arith.constant 0 : index
      %swap3A_362 = tpu.vector_load %arg7[%swap3A_359, %swap3A_360, %swap3A_361] {strides = array<i32>} : memref<5x125x64xf32, #tpu.memory_space<vmem>>, vector<1x1x16xf32>,
      %swap3A_363 = vector.shape_cast %swap3A_362 : vector<1x1x16xf32> to vector<16xf32>
      %swap3A_364 = vector.shape_cast %broadcast_in_dim3A_68 : vector<16xf32> to vector<1x1x16xf32>
      tpu.vector_store %arg7[%swap3A_359, %swap3A_360, %swap3A_361], %swap3A_364 {strides = array<i32>} : memref<5x125x64xf32, #tpu.memory_space<vmem>>, vector<1x1x16xf32>,
      %swap3A_365 = arith.constant 0 : i32
      %swap3A_366 = arith.index_cast %swap3A_365 : i32 to index
      %swap3A_367 = arith.index_cast %scan3A_358 : i32 to index
      %swap3A_368 = arith.constant 16 : index
      %swap3A_369 = tpu.vector_load %arg7[%swap3A_366, %swap3A_367, %swap3A_368] {strides = array<i32>} : memref<5x125x64xf32, #tpu.memory_space<vmem>>, vector<1x1x16xf32>,
      %swap3A_370 = vector.shape_cast %swap3A_369 : vector<1x1x16xf32> to vector<16xf32>
      %swap3A_371 = vector.shape_cast %broadcast_in_dim3A_68 : vector<16xf32> to vector<1x1x16xf32>
      tpu.vector_store %arg7[%swap3A_366, %swap3A_367, %swap3A_368], %swap3A_371 {strides = array<i32>} : memref<5x125x64xf32, #tpu.memory_space<vmem>>, vector<1x1x16xf32>,
      %swap3A_372 = arith.constant 0 : i32
      %swap3A_373 = arith.index_cast %swap3A_372 : i32 to index
      %swap3A_374 = arith.index_cast %scan3A_358 : i32 to index
      %swap3A_375 = arith.constant 32 : index
      %swap3A_376 = tpu.vector_load %arg7[%swap3A_373, %swap3A_374, %swap3A_375] {strides = array<i32>} : memref<5x125x64xf32, #tpu.memory_space<vmem>>, vector<1x1x16xf32>,
      %swap3A_377 = vector.shape_cast %swap3A_376 : vector<1x1x16xf32> to vector<16xf32>
      %swap3A_378 = vector.shape_cast %broadcast_in_dim3A_68 : vector<16xf32> to vector<1x1x16xf32>
      tpu.vector_store %arg7[%swap3A_373, %swap3A_374, %swap3A_375], %swap3A_378 {strides = array<i32>} : memref<5x125x64xf32, #tpu.memory_space<vmem>>, vector<1x1x16xf32>,
      %swap3A_379 = arith.constant 0 : i32
      %swap3A_380 = arith.index_cast %swap3A_379 : i32 to index
      %swap3A_381 = arith.index_cast %scan3A_358 : i32 to index
      %swap3A_382 = arith.constant 48 : index
      %swap3A_383 = tpu.vector_load %arg7[%swap3A_380, %swap3A_381, %swap3A_382] {strides = array<i32>} : memref<5x125x64xf32, #tpu.memory_space<vmem>>, vector<1x1x16xf32>,
      %swap3A_384 = vector.shape_cast %swap3A_383 : vector<1x1x16xf32> to vector<16xf32>
      %swap3A_385 = vector.shape_cast %broadcast_in_dim3A_68 : vector<16xf32> to vector<1x1x16xf32>
      tpu.vector_store %arg7[%swap3A_380, %swap3A_381, %swap3A_382], %swap3A_385 {strides = array<i32>} : memref<5x125x64xf32, #tpu.memory_space<vmem>>, vector<1x1x16xf32>,
    }
    %scan3A_73 = arith.constant 125 : i32
    %mul3A = arith.constant 624 : i32
    %mul3A_74 = arith.muli %arg1, %mul3A : i32
    %add3A = arith.constant 0 : i32
    %add3A_75 = arith.addi %mul3A_74, %add3A : i32
    %run_scoped3A_76 = arith.constant 0 : i32
    "tpu.region"() ({
      %run_scoped3A_358 = tpu.sem_alloc : memref<!tpu.dma_semaphore, #tpu.memory_space<semaphore_mem>>
      %dma_start3A_359 = arith.constant 0 : i32
      %dma_start3A_360 = arith.constant 0 : i32
      %dma_start3A_361 = tpu.memref_slice %arg7[%run_scoped3A_76, %dma_start3A_359, %dma_start3A_360] : memref<5x125x64xf32, #tpu.memory_space<vmem>> -> memref<1x125x64xf32, #tpu.memory_space<vmem>>
      %dma_start3A_362 = tpu.memref_squeeze %dma_start3A_361 : memref<1x125x64xf32, #tpu.memory_space<vmem>> -> memref<125x64xf32, #tpu.memory_space<vmem>>
      %dma_start3A_363 = arith.constant 0 : i32
      %dma_start3A_364 = tpu.memref_slice %arg8[%add3A_75, %dma_start3A_363] : memref<10000x64xf32, #tpu.memory_space<vmem_shared>> -> memref<125x64xf32, #tpu.memory_space<vmem_shared>>
      %dma_start3A_365 = arith.constant 0 : i32
      %dma_start3A_366 = tpu.memref_slice %arg8[%add3A_75, %dma_start3A_365] : memref<10000x64xf32, #tpu.memory_space<vmem_shared>> -> memref<125x64xf32, #tpu.memory_space<vmem_shared>>
      %dma_start3A_367 = arith.constant 0 : i32
      %dma_start3A_368 = arith.constant 0 : i32
      %dma_start3A_369 = tpu.memref_slice %arg7[%run_scoped3A_76, %dma_start3A_367, %dma_start3A_368] : memref<5x125x64xf32, #tpu.memory_space<vmem>> -> memref<1x125x64xf32, #tpu.memory_space<vmem>>
      %dma_start3A_370 = tpu.memref_squeeze %dma_start3A_369 : memref<1x125x64xf32, #tpu.memory_space<vmem>> -> memref<125x64xf32, #tpu.memory_space<vmem>>
      tpu.enqueue_dma source(%dma_start3A_370 : memref<125x64xf32, #tpu.memory_space<vmem>>) target(%dma_start3A_366 : memref<125x64xf32, #tpu.memory_space<vmem_shared>>) target_semaphore(%run_scoped3A_358 : memref<!tpu.dma_semaphore, #tpu.memory_space<semaphore_mem>>)
      %dma_wait3A_371 = arith.constant 0 : i32
      %dma_wait3A_372 = arith.constant 0 : i32
      %dma_wait3A_373 = tpu.memref_slice %arg7[%run_scoped3A_76, %dma_wait3A_371, %dma_wait3A_372] : memref<5x125x64xf32, #tpu.memory_space<vmem>> -> memref<1x125x64xf32, #tpu.memory_space<vmem>>
      %dma_wait3A_374 = tpu.memref_squeeze %dma_wait3A_373 : memref<1x125x64xf32, #tpu.memory_space<vmem>> -> memref<125x64xf32, #tpu.memory_space<vmem>>
      %dma_wait3A_375 = arith.constant 0 : i32
      %dma_wait3A_376 = tpu.memref_slice %arg8[%add3A_75, %dma_wait3A_375] : memref<10000x64xf32, #tpu.memory_space<vmem_shared>> -> memref<125x64xf32, #tpu.memory_space<vmem_shared>>
      %dma_wait3A_377 = arith.constant 0 : i32
      %dma_wait3A_378 = tpu.memref_slice %arg8[%add3A_75, %dma_wait3A_377] : memref<10000x64xf32, #tpu.memory_space<vmem_shared>> -> memref<125x64xf32, #tpu.memory_space<vmem_shared>>
      %dma_wait3A_379 = arith.constant 0 : i32
      %dma_wait3A_380 = arith.constant 0 : i32
      %dma_wait3A_381 = tpu.memref_slice %arg7[%run_scoped3A_76, %dma_wait3A_379, %dma_wait3A_380] : memref<5x125x64xf32, #tpu.memory_space<vmem>> -> memref<1x125x64xf32, #tpu.memory_space<vmem>>
      %dma_wait3A_382 = tpu.memref_squeeze %dma_wait3A_381 : memref<1x125x64xf32, #tpu.memory_space<vmem>> -> memref<125x64xf32, #tpu.memory_space<vmem>>
      tpu.wait_dma2 semaphore(%run_scoped3A_358 : memref<!tpu.dma_semaphore, #tpu.memory_space<semaphore_mem>>) src(%dma_wait3A_382 : memref<125x64xf32, #tpu.memory_space<vmem>>) dst(%dma_wait3A_378 : memref<125x64xf32, #tpu.memory_space<vmem_shared>>)
      tpu.yield
    }) : () -> ()
    %add3A_77 = arith.constant 125 : i32
    %add3A_78 = arith.addi %mul3A_74, %add3A_77 : i32
    %run_scoped3A_79 = arith.constant 0 : i32
    "tpu.region"() ({
      %run_scoped3A_358 = tpu.sem_alloc : memref<!tpu.dma_semaphore, #tpu.memory_space<semaphore_mem>>
      %dma_start3A_359 = arith.constant 0 : i32
      %dma_start3A_360 = arith.constant 0 : i32
      %dma_start3A_361 = tpu.memref_slice %arg7[%run_scoped3A_79, %dma_start3A_359, %dma_start3A_360] : memref<5x125x64xf32, #tpu.memory_space<vmem>> -> memref<1x125x64xf32, #tpu.memory_space<vmem>>
      %dma_start3A_362 = tpu.memref_squeeze %dma_start3A_361 : memref<1x125x64xf32, #tpu.memory_space<vmem>> -> memref<125x64xf32, #tpu.memory_space<vmem>>
      %dma_start3A_363 = arith.constant 0 : i32
      %dma_start3A_364 = tpu.memref_slice %arg8[%add3A_78, %dma_start3A_363] : memref<10000x64xf32, #tpu.memory_space<vmem_shared>> -> memref<125x64xf32, #tpu.memory_space<vmem_shared>>
      %dma_start3A_365 = arith.constant 0 : i32
      %dma_start3A_366 = tpu.memref_slice %arg8[%add3A_78, %dma_start3A_365] : memref<10000x64xf32, #tpu.memory_space<vmem_shared>> -> memref<125x64xf32, #tpu.memory_space<vmem_shared>>
      %dma_start3A_367 = arith.constant 0 : i32
      %dma_start3A_368 = arith.constant 0 : i32
      %dma_start3A_369 = tpu.memref_slice %arg7[%run_scoped3A_79, %dma_start3A_367, %dma_start3A_368] : memref<5x125x64xf32, #tpu.memory_space<vmem>> -> memref<1x125x64xf32, #tpu.memory_space<vmem>>
      %dma_start3A_370 = tpu.memref_squeeze %dma_start3A_369 : memref<1x125x64xf32, #tpu.memory_space<vmem>> -> memref<125x64xf32, #tpu.memory_space<vmem>>
      tpu.enqueue_dma source(%dma_start3A_370 : memref<125x64xf32, #tpu.memory_space<vmem>>) target(%dma_start3A_366 : memref<125x64xf32, #tpu.memory_space<vmem_shared>>) target_semaphore(%run_scoped3A_358 : memref<!tpu.dma_semaphore, #tpu.memory_space<semaphore_mem>>)
      %dma_wait3A_371 = arith.constant 0 : i32
      %dma_wait3A_372 = arith.constant 0 : i32
      %dma_wait3A_373 = tpu.memref_slice %arg7[%run_scoped3A_79, %dma_wait3A_371, %dma_wait3A_372] : memref<5x125x64xf32, #tpu.memory_space<vmem>> -> memref<1x125x64xf32, #tpu.memory_space<vmem>>
      %dma_wait3A_374 = tpu.memref_squeeze %dma_wait3A_373 : memref<1x125x64xf32, #tpu.memory_space<vmem>> -> memref<125x64xf32, #tpu.memory_space<vmem>>
      %dma_wait3A_375 = arith.constant 0 : i32
      %dma_wait3A_376 = tpu.memref_slice %arg8[%add3A_78, %dma_wait3A_375] : memref<10000x64xf32, #tpu.memory_space<vmem_shared>> -> memref<125x64xf32, #tpu.memory_space<vmem_shared>>
      %dma_wait3A_377 = arith.constant 0 : i32
      %dma_wait3A_378 = tpu.memref_slice %arg8[%add3A_78, %dma_wait3A_377] : memref<10000x64xf32, #tpu.memory_space<vmem_shared>> -> memref<125x64xf32, #tpu.memory_space<vmem_shared>>
      %dma_wait3A_379 = arith.constant 0 : i32
      %dma_wait3A_380 = arith.constant 0 : i32
      %dma_wait3A_381 = tpu.memref_slice %arg7[%run_scoped3A_79, %dma_wait3A_379, %dma_wait3A_380] : memref<5x125x64xf32, #tpu.memory_space<vmem>> -> memref<1x125x64xf32, #tpu.memory_space<vmem>>
      %dma_wait3A_382 = tpu.memref_squeeze %dma_wait3A_381 : memref<1x125x64xf32, #tpu.memory_space<vmem>> -> memref<125x64xf32, #tpu.memory_space<vmem>>
      tpu.wait_dma2 semaphore(%run_scoped3A_358 : memref<!tpu.dma_semaphore, #tpu.memory_space<semaphore_mem>>) src(%dma_wait3A_382 : memref<125x64xf32, #tpu.memory_space<vmem>>) dst(%dma_wait3A_378 : memref<125x64xf32, #tpu.memory_space<vmem_shared>>)
      tpu.yield
    }) : () -> ()
    %add3A_80 = arith.constant 250 : i32
    %add3A_81 = arith.addi %mul3A_74, %add3A_80 : i32
    %run_scoped3A_82 = arith.constant 0 : i32
    "tpu.region"() ({
      %run_scoped3A_358 = tpu.sem_alloc : memref<!tpu.dma_semaphore, #tpu.memory_space<semaphore_mem>>
      %dma_start3A_359 = arith.constant 0 : i32
      %dma_start3A_360 = arith.constant 0 : i32
      %dma_start3A_361 = tpu.memref_slice %arg7[%run_scoped3A_82, %dma_start3A_359, %dma_start3A_360] : memref<5x125x64xf32, #tpu.memory_space<vmem>> -> memref<1x125x64xf32, #tpu.memory_space<vmem>>
      %dma_start3A_362 = tpu.memref_squeeze %dma_start3A_361 : memref<1x125x64xf32, #tpu.memory_space<vmem>> -> memref<125x64xf32, #tpu.memory_space<vmem>>
      %dma_start3A_363 = arith.constant 0 : i32
      %dma_start3A_364 = tpu.memref_slice %arg8[%add3A_81, %dma_start3A_363] : memref<10000x64xf32, #tpu.memory_space<vmem_shared>> -> memref<125x64xf32, #tpu.memory_space<vmem_shared>>
      %dma_start3A_365 = arith.constant 0 : i32
      %dma_start3A_366 = tpu.memref_slice %arg8[%add3A_81, %dma_start3A_365] : memref<10000x64xf32, #tpu.memory_space<vmem_shared>> -> memref<125x64xf32, #tpu.memory_space<vmem_shared>>
      %dma_start3A_367 = arith.constant 0 : i32
      %dma_start3A_368 = arith.constant 0 : i32
      %dma_start3A_369 = tpu.memref_slice %arg7[%run_scoped3A_82, %dma_start3A_367, %dma_start3A_368] : memref<5x125x64xf32, #tpu.memory_space<vmem>> -> memref<1x125x64xf32, #tpu.memory_space<vmem>>
      %dma_start3A_370 = tpu.memref_squeeze %dma_start3A_369 : memref<1x125x64xf32, #tpu.memory_space<vmem>> -> memref<125x64xf32, #tpu.memory_space<vmem>>
      tpu.enqueue_dma source(%dma_start3A_370 : memref<125x64xf32, #tpu.memory_space<vmem>>) target(%dma_start3A_366 : memref<125x64xf32, #tpu.memory_space<vmem_shared>>) target_semaphore(%run_scoped3A_358 : memref<!tpu.dma_semaphore, #tpu.memory_space<semaphore_mem>>)
      %dma_wait3A_371 = arith.constant 0 : i32
      %dma_wait3A_372 = arith.constant 0 : i32
      %dma_wait3A_373 = tpu.memref_slice %arg7[%run_scoped3A_82, %dma_wait3A_371, %dma_wait3A_372] : memref<5x125x64xf32, #tpu.memory_space<vmem>> -> memref<1x125x64xf32, #tpu.memory_space<vmem>>
      %dma_wait3A_374 = tpu.memref_squeeze %dma_wait3A_373 : memref<1x125x64xf32, #tpu.memory_space<vmem>> -> memref<125x64xf32, #tpu.memory_space<vmem>>
      %dma_wait3A_375 = arith.constant 0 : i32
      %dma_wait3A_376 = tpu.memref_slice %arg8[%add3A_81, %dma_wait3A_375] : memref<10000x64xf32, #tpu.memory_space<vmem_shared>> -> memref<125x64xf32, #tpu.memory_space<vmem_shared>>
      %dma_wait3A_377 = arith.constant 0 : i32
      %dma_wait3A_378 = tpu.memref_slice %arg8[%add3A_81, %dma_wait3A_377] : memref<10000x64xf32, #tpu.memory_space<vmem_shared>> -> memref<125x64xf32, #tpu.memory_space<vmem_shared>>
      %dma_wait3A_379 = arith.constant 0 : i32
      %dma_wait3A_380 = arith.constant 0 : i32
      %dma_wait3A_381 = tpu.memref_slice %arg7[%run_scoped3A_82, %dma_wait3A_379, %dma_wait3A_380] : memref<5x125x64xf32, #tpu.memory_space<vmem>> -> memref<1x125x64xf32, #tpu.memory_space<vmem>>
      %dma_wait3A_382 = tpu.memref_squeeze %dma_wait3A_381 : memref<1x125x64xf32, #tpu.memory_space<vmem>> -> memref<125x64xf32, #tpu.memory_space<vmem>>
      tpu.wait_dma2 semaphore(%run_scoped3A_358 : memref<!tpu.dma_semaphore, #tpu.memory_space<semaphore_mem>>) src(%dma_wait3A_382 : memref<125x64xf32, #tpu.memory_space<vmem>>) dst(%dma_wait3A_378 : memref<125x64xf32, #tpu.memory_space<vmem_shared>>)
      tpu.yield
    }) : () -> ()
    %add3A_83 = arith.constant 375 : i32
    %add3A_84 = arith.addi %mul3A_74, %add3A_83 : i32
    %run_scoped3A_85 = arith.constant 0 : i32
    "tpu.region"() ({
      %run_scoped3A_358 = tpu.sem_alloc : memref<!tpu.dma_semaphore, #tpu.memory_space<semaphore_mem>>
      %dma_start3A_359 = arith.constant 0 : i32
      %dma_start3A_360 = arith.constant 0 : i32
      %dma_start3A_361 = tpu.memref_slice %arg7[%run_scoped3A_85, %dma_start3A_359, %dma_start3A_360] : memref<5x125x64xf32, #tpu.memory_space<vmem>> -> memref<1x125x64xf32, #tpu.memory_space<vmem>>
      %dma_start3A_362 = tpu.memref_squeeze %dma_start3A_361 : memref<1x125x64xf32, #tpu.memory_space<vmem>> -> memref<125x64xf32, #tpu.memory_space<vmem>>
      %dma_start3A_363 = arith.constant 0 : i32
      %dma_start3A_364 = tpu.memref_slice %arg8[%add3A_84, %dma_start3A_363] : memref<10000x64xf32, #tpu.memory_space<vmem_shared>> -> memref<125x64xf32, #tpu.memory_space<vmem_shared>>
      %dma_start3A_365 = arith.constant 0 : i32
      %dma_start3A_366 = tpu.memref_slice %arg8[%add3A_84, %dma_start3A_365] : memref<10000x64xf32, #tpu.memory_space<vmem_shared>> -> memref<125x64xf32, #tpu.memory_space<vmem_shared>>
      %dma_start3A_367 = arith.constant 0 : i32
      %dma_start3A_368 = arith.constant 0 : i32
      %dma_start3A_369 = tpu.memref_slice %arg7[%run_scoped3A_85, %dma_start3A_367, %dma_start3A_368] : memref<5x125x64xf32, #tpu.memory_space<vmem>> -> memref<1x125x64xf32, #tpu.memory_space<vmem>>
      %dma_start3A_370 = tpu.memref_squeeze %dma_start3A_369 : memref<1x125x64xf32, #tpu.memory_space<vmem>> -> memref<125x64xf32, #tpu.memory_space<vmem>>
      tpu.enqueue_dma source(%dma_start3A_370 : memref<125x64xf32, #tpu.memory_space<vmem>>) target(%dma_start3A_366 : memref<125x64xf32, #tpu.memory_space<vmem_shared>>) target_semaphore(%run_scoped3A_358 : memref<!tpu.dma_semaphore, #tpu.memory_space<semaphore_mem>>)
      %dma_wait3A_371 = arith.constant 0 : i32
      %dma_wait3A_372 = arith.constant 0 : i32
      %dma_wait3A_373 = tpu.memref_slice %arg7[%run_scoped3A_85, %dma_wait3A_371, %dma_wait3A_372] : memref<5x125x64xf32, #tpu.memory_space<vmem>> -> memref<1x125x64xf32, #tpu.memory_space<vmem>>
      %dma_wait3A_374 = tpu.memref_squeeze %dma_wait3A_373 : memref<1x125x64xf32, #tpu.memory_space<vmem>> -> memref<125x64xf32, #tpu.memory_space<vmem>>
      %dma_wait3A_375 = arith.constant 0 : i32
      %dma_wait3A_376 = tpu.memref_slice %arg8[%add3A_84, %dma_wait3A_375] : memref<10000x64xf32, #tpu.memory_space<vmem_shared>> -> memref<125x64xf32, #tpu.memory_space<vmem_shared>>
      %dma_wait3A_377 = arith.constant 0 : i32
      %dma_wait3A_378 = tpu.memref_slice %arg8[%add3A_84, %dma_wait3A_377] : memref<10000x64xf32, #tpu.memory_space<vmem_shared>> -> memref<125x64xf32, #tpu.memory_space<vmem_shared>>
      %dma_wait3A_379 = arith.constant 0 : i32
      %dma_wait3A_380 = arith.constant 0 : i32
      %dma_wait3A_381 = tpu.memref_slice %arg7[%run_scoped3A_85, %dma_wait3A_379, %dma_wait3A_380] : memref<5x125x64xf32, #tpu.memory_space<vmem>> -> memref<1x125x64xf32, #tpu.memory_space<vmem>>
      %dma_wait3A_382 = tpu.memref_squeeze %dma_wait3A_381 : memref<1x125x64xf32, #tpu.memory_space<vmem>> -> memref<125x64xf32, #tpu.memory_space<vmem>>
      tpu.wait_dma2 semaphore(%run_scoped3A_358 : memref<!tpu.dma_semaphore, #tpu.memory_space<semaphore_mem>>) src(%dma_wait3A_382 : memref<125x64xf32, #tpu.memory_space<vmem>>) dst(%dma_wait3A_378 : memref<125x64xf32, #tpu.memory_space<vmem_shared>>)
      tpu.yield
    }) : () -> ()
    %add3A_86 = arith.constant 500 : i32
    %add3A_87 = arith.addi %mul3A_74, %add3A_86 : i32
    %run_scoped3A_88 = arith.constant 0 : i32
    "tpu.region"() ({
      %run_scoped3A_358 = tpu.sem_alloc : memref<!tpu.dma_semaphore, #tpu.memory_space<semaphore_mem>>
      %dma_start3A_359 = arith.constant 0 : i32
      %dma_start3A_360 = arith.constant 0 : i32
      %dma_start3A_361 = tpu.memref_slice %arg7[%run_scoped3A_88, %dma_start3A_359, %dma_start3A_360] : memref<5x125x64xf32, #tpu.memory_space<vmem>> -> memref<1x125x64xf32, #tpu.memory_space<vmem>>
      %dma_start3A_362 = tpu.memref_squeeze %dma_start3A_361 : memref<1x125x64xf32, #tpu.memory_space<vmem>> -> memref<125x64xf32, #tpu.memory_space<vmem>>
      %dma_start3A_363 = arith.constant 0 : i32
      %dma_start3A_364 = arith.constant 0 : i32
      %dma_start3A_365 = tpu.memref_slice %dma_start3A_362[%dma_start3A_363, %dma_start3A_364] : memref<125x64xf32, #tpu.memory_space<vmem>> -> memref<124x64xf32, #tpu.memory_space<vmem>>
      %dma_start3A_366 = arith.constant 0 : i32
      %dma_start3A_367 = tpu.memref_slice %arg8[%add3A_87, %dma_start3A_366] : memref<10000x64xf32, #tpu.memory_space<vmem_shared>> -> memref<124x64xf32, #tpu.memory_space<vmem_shared>>
      %dma_start3A_368 = arith.constant 0 : i32
      %dma_start3A_369 = tpu.memref_slice %arg8[%add3A_87, %dma_start3A_368] : memref<10000x64xf32, #tpu.memory_space<vmem_shared>> -> memref<124x64xf32, #tpu.memory_space<vmem_shared>>
      %dma_start3A_370 = arith.constant 0 : i32
      %dma_start3A_371 = arith.constant 0 : i32
      %dma_start3A_372 = tpu.memref_slice %arg7[%run_scoped3A_88, %dma_start3A_370, %dma_start3A_371] : memref<5x125x64xf32, #tpu.memory_space<vmem>> -> memref<1x125x64xf32, #tpu.memory_space<vmem>>
      %dma_start3A_373 = tpu.memref_squeeze %dma_start3A_372 : memref<1x125x64xf32, #tpu.memory_space<vmem>> -> memref<125x64xf32, #tpu.memory_space<vmem>>
      %dma_start3A_374 = arith.constant 0 : i32
      %dma_start3A_375 = arith.constant 0 : i32
      %dma_start3A_376 = tpu.memref_slice %dma_start3A_373[%dma_start3A_374, %dma_start3A_375] : memref<125x64xf32, #tpu.memory_space<vmem>> -> memref<124x64xf32, #tpu.memory_space<vmem>>
      tpu.enqueue_dma source(%dma_start3A_376 : memref<124x64xf32, #tpu.memory_space<vmem>>) target(%dma_start3A_369 : memref<124x64xf32, #tpu.memory_space<vmem_shared>>) target_semaphore(%run_scoped3A_358 : memref<!tpu.dma_semaphore, #tpu.memory_space<semaphore_mem>>)
      %dma_wait3A_377 = arith.constant 0 : i32
      %dma_wait3A_378 = arith.constant 0 : i32
      %dma_wait3A_379 = tpu.memref_slice %arg7[%run_scoped3A_88, %dma_wait3A_377, %dma_wait3A_378] : memref<5x125x64xf32, #tpu.memory_space<vmem>> -> memref<1x125x64xf32, #tpu.memory_space<vmem>>
      %dma_wait3A_380 = tpu.memref_squeeze %dma_wait3A_379 : memref<1x125x64xf32, #tpu.memory_space<vmem>> -> memref<125x64xf32, #tpu.memory_space<vmem>>
      %dma_wait3A_381 = arith.constant 0 : i32
      %dma_wait3A_382 = arith.constant 0 : i32
      %dma_wait3A_383 = tpu.memref_slice %dma_wait3A_380[%dma_wait3A_381, %dma_wait3A_382] : memref<125x64xf32, #tpu.memory_space<vmem>> -> memref<124x64xf32, #tpu.memory_space<vmem>>
      %dma_wait3A_384 = arith.constant 0 : i32
      %dma_wait3A_385 = tpu.memref_slice %arg8[%add3A_87, %dma_wait3A_384] : memref<10000x64xf32, #tpu.memory_space<vmem_shared>> -> memref<124x64xf32, #tpu.memory_space<vmem_shared>>
      %dma_wait3A_386 = arith.constant 0 : i32
      %dma_wait3A_387 = tpu.memref_slice %arg8[%add3A_87, %dma_wait3A_386] : memref<10000x64xf32, #tpu.memory_space<vmem_shared>> -> memref<124x64xf32, #tpu.memory_space<vmem_shared>>
      %dma_wait3A_388 = arith.constant 0 : i32
      %dma_wait3A_389 = arith.constant 0 : i32
      %dma_wait3A_390 = tpu.memref_slice %arg7[%run_scoped3A_88, %dma_wait3A_388, %dma_wait3A_389] : memref<5x125x64xf32, #tpu.memory_space<vmem>> -> memref<1x125x64xf32, #tpu.memory_space<vmem>>
      %dma_wait3A_391 = tpu.memref_squeeze %dma_wait3A_390 : memref<1x125x64xf32, #tpu.memory_space<vmem>> -> memref<125x64xf32, #tpu.memory_space<vmem>>
      %dma_wait3A_392 = arith.constant 0 : i32
      %dma_wait3A_393 = arith.constant 0 : i32
      %dma_wait3A_394 = tpu.memref_slice %dma_wait3A_391[%dma_wait3A_392, %dma_wait3A_393] : memref<125x64xf32, #tpu.memory_space<vmem>> -> memref<124x64xf32, #tpu.memory_space<vmem>>
      tpu.wait_dma2 semaphore(%run_scoped3A_358 : memref<!tpu.dma_semaphore, #tpu.memory_space<semaphore_mem>>) src(%dma_wait3A_394 : memref<124x64xf32, #tpu.memory_space<vmem>>) dst(%dma_wait3A_387 : memref<124x64xf32, #tpu.memory_space<vmem_shared>>)
      tpu.yield
    }) : () -> ()
    %eq3A = arith.constant 15 : i32
    %eq3A_89 = arith.cmpi eq, %arg1, %eq3A : i32
    %convert_element_type3A = arith.extui %eq3A_89 : i1 to i32
    %cond3A = arith.constant 0 : i32
    %cond3A_90 = arith.cmpi ne, %convert_element_type3A, %cond3A : i32
    scf.if %cond3A_90 {
      %add3A_358 = arith.constant 624 : i32
      %add3A_359 = arith.addi %mul3A_74, %add3A_358 : i32
      %run_scoped3A_360 = arith.constant 0 : i32
      "tpu.region"() ({
        %run_scoped3A_361 = tpu.sem_alloc : memref<!tpu.dma_semaphore, #tpu.memory_space<semaphore_mem>>
        %dma_start3A_362 = arith.constant 0 : i32
        %dma_start3A_363 = arith.constant 0 : i32
        %dma_start3A_364 = tpu.memref_slice %arg7[%run_scoped3A_360, %dma_start3A_362, %dma_start3A_363] : memref<5x125x64xf32, #tpu.memory_space<vmem>> -> memref<1x125x64xf32, #tpu.memory_space<vmem>>
        %dma_start3A_365 = tpu.memref_squeeze %dma_start3A_364 : memref<1x125x64xf32, #tpu.memory_space<vmem>> -> memref<125x64xf32, #tpu.memory_space<vmem>>
        %dma_start3A_366 = arith.constant 0 : i32
        %dma_start3A_367 = arith.constant 0 : i32
        %dma_start3A_368 = tpu.memref_slice %dma_start3A_365[%dma_start3A_366, %dma_start3A_367] : memref<125x64xf32, #tpu.memory_space<vmem>> -> memref<16x64xf32, #tpu.memory_space<vmem>>
        %dma_start3A_369 = arith.constant 0 : i32
        %dma_start3A_370 = tpu.memref_slice %arg8[%add3A_359, %dma_start3A_369] : memref<10000x64xf32, #tpu.memory_space<vmem_shared>> -> memref<16x64xf32, #tpu.memory_space<vmem_shared>>
        %dma_start3A_371 = arith.constant 0 : i32
        %dma_start3A_372 = tpu.memref_slice %arg8[%add3A_359, %dma_start3A_371] : memref<10000x64xf32, #tpu.memory_space<vmem_shared>> -> memref<16x64xf32, #tpu.memory_space<vmem_shared>>
        %dma_start3A_373 = arith.constant 0 : i32
        %dma_start3A_374 = arith.constant 0 : i32
        %dma_start3A_375 = tpu.memref_slice %arg7[%run_scoped3A_360, %dma_start3A_373, %dma_start3A_374] : memref<5x125x64xf32, #tpu.memory_space<vmem>> -> memref<1x125x64xf32, #tpu.memory_space<vmem>>
        %dma_start3A_376 = tpu.memref_squeeze %dma_start3A_375 : memref<1x125x64xf32, #tpu.memory_space<vmem>> -> memref<125x64xf32, #tpu.memory_space<vmem>>
        %dma_start3A_377 = arith.constant 0 : i32
        %dma_start3A_378 = arith.constant 0 : i32
        %dma_start3A_379 = tpu.memref_slice %dma_start3A_376[%dma_start3A_377, %dma_start3A_378] : memref<125x64xf32, #tpu.memory_space<vmem>> -> memref<16x64xf32, #tpu.memory_space<vmem>>
        tpu.enqueue_dma source(%dma_start3A_379 : memref<16x64xf32, #tpu.memory_space<vmem>>) target(%dma_start3A_372 : memref<16x64xf32, #tpu.memory_space<vmem_shared>>) target_semaphore(%run_scoped3A_361 : memref<!tpu.dma_semaphore, #tpu.memory_space<semaphore_mem>>)
        %dma_wait3A_380 = arith.constant 0 : i32
        %dma_wait3A_381 = arith.constant 0 : i32
        %dma_wait3A_382 = tpu.memref_slice %arg7[%run_scoped3A_360, %dma_wait3A_380, %dma_wait3A_381] : memref<5x125x64xf32, #tpu.memory_space<vmem>> -> memref<1x125x64xf32, #tpu.memory_space<vmem>>
        %dma_wait3A_383 = tpu.memref_squeeze %dma_wait3A_382 : memref<1x125x64xf32, #tpu.memory_space<vmem>> -> memref<125x64xf32, #tpu.memory_space<vmem>>
        %dma_wait3A_384 = arith.constant 0 : i32
        %dma_wait3A_385 = arith.constant 0 : i32
        %dma_wait3A_386 = tpu.memref_slice %dma_wait3A_383[%dma_wait3A_384, %dma_wait3A_385] : memref<125x64xf32, #tpu.memory_space<vmem>> -> memref<16x64xf32, #tpu.memory_space<vmem>>
        %dma_wait3A_387 = arith.constant 0 : i32
        %dma_wait3A_388 = tpu.memref_slice %arg8[%add3A_359, %dma_wait3A_387] : memref<10000x64xf32, #tpu.memory_space<vmem_shared>> -> memref<16x64xf32, #tpu.memory_space<vmem_shared>>
        %dma_wait3A_389 = arith.constant 0 : i32
        %dma_wait3A_390 = tpu.memref_slice %arg8[%add3A_359, %dma_wait3A_389] : memref<10000x64xf32, #tpu.memory_space<vmem_shared>> -> memref<16x64xf32, #tpu.memory_space<vmem_shared>>
        %dma_wait3A_391 = arith.constant 0 : i32
        %dma_wait3A_392 = arith.constant 0 : i32
        %dma_wait3A_393 = tpu.memref_slice %arg7[%run_scoped3A_360, %dma_wait3A_391, %dma_wait3A_392] : memref<5x125x64xf32, #tpu.memory_space<vmem>> -> memref<1x125x64xf32, #tpu.memory_space<vmem>>
        %dma_wait3A_394 = tpu.memref_squeeze %dma_wait3A_393 : memref<1x125x64xf32, #tpu.memory_space<vmem>> -> memref<125x64xf32, #tpu.memory_space<vmem>>
        %dma_wait3A_395 = arith.constant 0 : i32
        %dma_wait3A_396 = arith.constant 0 : i32
        %dma_wait3A_397 = tpu.memref_slice %dma_wait3A_394[%dma_wait3A_395, %dma_wait3A_396] : memref<125x64xf32, #tpu.memory_space<vmem>> -> memref<16x64xf32, #tpu.memory_space<vmem>>
        tpu.wait_dma2 semaphore(%run_scoped3A_361 : memref<!tpu.dma_semaphore, #tpu.memory_space<semaphore_mem>>) src(%dma_wait3A_397 : memref<16x64xf32, #tpu.memory_space<vmem>>) dst(%dma_wait3A_390 : memref<16x64xf32, #tpu.memory_space<vmem_shared>>)
        tpu.yield
      }) : () -> ()
    } else {
    }
    %dma_start3A_91 = arith.constant 0 : i32
    %dma_start3A_92 = arith.constant 0 : i32
    %dma_start3A_93 = arith.constant 0 : i32
    %dma_start3A_94 = arith.constant 0 : i32
    %dma_start3A_95 = arith.constant 0 : i32
    %dma_start3A_96 = tpu.memref_slice %arg7[%dma_start3A_92, %dma_start3A_94, %dma_start3A_95] : memref<5x125x64xf32, #tpu.memory_space<vmem>> -> memref<1x125x64xf32, #tpu.memory_space<vmem>>
    %dma_start3A_97 = tpu.memref_squeeze %dma_start3A_96 : memref<1x125x64xf32, #tpu.memory_space<vmem>> -> memref<125x64xf32, #tpu.memory_space<vmem>>
    %dma_start3A_98 = arith.constant 0 : i32
    %dma_start3A_99 = tpu.memref_slice %arg6[%dma_start3A_91, %dma_start3A_98] : memref<160x125xi32, #tpu.memory_space<vmem>> -> memref<1x125xi32, #tpu.memory_space<vmem>>
    %dma_start3A_100 = tpu.memref_squeeze %dma_start3A_99 : memref<1x125xi32, #tpu.memory_space<vmem>> -> memref<125xi32, #tpu.memory_space<vmem>>
    %dma_start3A_101 = arith.constant 0 : i32
    %dma_start3A_102 = tpu.memref_slice %arg3[%arg0, %dma_start3A_101] : memref<20000x64xf32, #tpu.memory_space<hbm>> -> memref<19999x64xf32, #tpu.memory_space<hbm>>
    %dma_start3A_103 = arith.constant 0 : i32
    %dma_start3A_104 = arith.constant 0 : i32
    %dma_start3A_105 = tpu.memref_slice %dma_start3A_102[%dma_start3A_103, %dma_start3A_104] : memref<19999x64xf32, #tpu.memory_space<hbm>> -> memref<19999x64xf32, #tpu.memory_space<hbm>>
    %dma_start3A_106 = tpu.memref_slice %arg9[%dma_start3A_93] : memref<5x!tpu.dma_semaphore, #tpu.memory_space<semaphore_mem>> -> memref<1x!tpu.dma_semaphore, #tpu.memory_space<semaphore_mem>>
    %dma_start3A_107 = tpu.memref_squeeze %dma_start3A_106 : memref<1x!tpu.dma_semaphore, #tpu.memory_space<semaphore_mem>> -> memref<!tpu.dma_semaphore, #tpu.memory_space<semaphore_mem>>
    tpu.enqueue_indirect_dma source(%dma_start3A_105 : memref<19999x64xf32, #tpu.memory_space<hbm>>) target(%dma_start3A_97 : memref<125x64xf32, #tpu.memory_space<vmem>>) offsets(%dma_start3A_100 : memref<125xi32, #tpu.memory_space<vmem>>) semaphore(%dma_start3A_107 : memref<!tpu.dma_semaphore, #tpu.memory_space<semaphore_mem>>)
    %barrier3A = arith.constant 0 : index
    tpu.barrier barrier_id(%barrier3A)
    %scan3A_108 = arith.constant 0 : i32
    %scan3A_109 = arith.constant 0 : i32
    %scan3A_110 = arith.constant 31 : i32
    %scan3A_111 = arith.addi %scan3A_109, %scan3A_110 : i32
    %scan3A_112 = arith.constant 1 : i32
    scf.for %scan3A_358 = %scan3A_109 to %scan3A_111 step %scan3A_112  : i32 {
      %mul3A_359 = arith.constant 5 : i32
      %mul3A_360 = arith.muli %scan3A_358, %mul3A_359 : i32
      %add3A_361 = arith.constant 0 : i32
      %add3A_362 = arith.addi %mul3A_360, %add3A_361 : i32
      %dma_wait3A_363 = arith.constant 0 : i32
      %dma_wait3A_364 = arith.constant 0 : i32
      %dma_wait3A_365 = arith.constant 0 : i32
      %dma_wait3A_366 = arith.constant 0 : i32
      %dma_wait3A_367 = tpu.memref_slice %arg7[%dma_wait3A_363, %dma_wait3A_365, %dma_wait3A_366] : memref<5x125x64xf32, #tpu.memory_space<vmem>> -> memref<1x125x64xf32, #tpu.memory_space<vmem>>
      %dma_wait3A_368 = tpu.memref_squeeze %dma_wait3A_367 : memref<1x125x64xf32, #tpu.memory_space<vmem>> -> memref<125x64xf32, #tpu.memory_space<vmem>>
      %dma_wait3A_369 = arith.constant 0 : i32
      %dma_wait3A_370 = tpu.memref_slice %arg6[%add3A_362, %dma_wait3A_369] : memref<160x125xi32, #tpu.memory_space<vmem>> -> memref<1x125xi32, #tpu.memory_space<vmem>>
      %dma_wait3A_371 = tpu.memref_squeeze %dma_wait3A_370 : memref<1x125xi32, #tpu.memory_space<vmem>> -> memref<125xi32, #tpu.memory_space<vmem>>
      %dma_wait3A_372 = arith.constant 0 : i32
      %dma_wait3A_373 = tpu.memref_slice %arg3[%arg0, %dma_wait3A_372] : memref<20000x64xf32, #tpu.memory_space<hbm>> -> memref<19999x64xf32, #tpu.memory_space<hbm>>
      %dma_wait3A_374 = arith.constant 0 : i32
      %dma_wait3A_375 = arith.constant 0 : i32
      %dma_wait3A_376 = tpu.memref_slice %dma_wait3A_373[%dma_wait3A_374, %dma_wait3A_375] : memref<19999x64xf32, #tpu.memory_space<hbm>> -> memref<19999x64xf32, #tpu.memory_space<hbm>>
      %dma_wait3A_377 = tpu.memref_slice %arg9[%dma_wait3A_364] : memref<5x!tpu.dma_semaphore, #tpu.memory_space<semaphore_mem>> -> memref<1x!tpu.dma_semaphore, #tpu.memory_space<semaphore_mem>>
      %dma_wait3A_378 = tpu.memref_squeeze %dma_wait3A_377 : memref<1x!tpu.dma_semaphore, #tpu.memory_space<semaphore_mem>> -> memref<!tpu.dma_semaphore, #tpu.memory_space<semaphore_mem>>
      tpu.wait_indirect_dma semaphore(%dma_wait3A_378 : memref<!tpu.dma_semaphore, #tpu.memory_space<semaphore_mem>>) src(%dma_wait3A_376 : memref<19999x64xf32, #tpu.memory_space<hbm>>) dst(%dma_wait3A_368 : memref<125x64xf32, #tpu.memory_space<vmem>>)
      %add3A_379 = arith.constant 0 : i32
      %add3A_380 = arith.addi %mul3A_360, %add3A_379 : i32
      %dma_start3A_381 = arith.constant 0 : i32
      %dma_start3A_382 = arith.constant 0 : i32
      %dma_start3A_383 = arith.constant 0 : i32
      %dma_start3A_384 = arith.constant 0 : i32
      %dma_start3A_385 = tpu.memref_slice %arg7[%dma_start3A_381, %dma_start3A_383, %dma_start3A_384] : memref<5x125x64xf32, #tpu.memory_space<vmem>> -> memref<1x125x64xf32, #tpu.memory_space<vmem>>
      %dma_start3A_386 = tpu.memref_squeeze %dma_start3A_385 : memref<1x125x64xf32, #tpu.memory_space<vmem>> -> memref<125x64xf32, #tpu.memory_space<vmem>>
      %dma_start3A_387 = arith.constant 0 : i32
      %dma_start3A_388 = tpu.memref_slice %arg5[%add3A_380, %dma_start3A_387] : memref<160x125xi32, #tpu.memory_space<vmem>> -> memref<1x125xi32, #tpu.memory_space<vmem>>
      %dma_start3A_389 = tpu.memref_squeeze %dma_start3A_388 : memref<1x125xi32, #tpu.memory_space<vmem>> -> memref<125xi32, #tpu.memory_space<vmem>>
      %dma_start3A_390 = arith.constant 0 : i32
      %dma_start3A_391 = arith.constant 0 : i32
      %dma_start3A_392 = tpu.memref_slice %arg8[%dma_start3A_390, %dma_start3A_391] : memref<10000x64xf32, #tpu.memory_space<vmem_shared>> -> memref<10000x64xf32, #tpu.memory_space<vmem_shared>>
      %dma_start3A_393 = tpu.memref_slice %arg10[%dma_start3A_382] : memref<5x!tpu.dma_semaphore, #tpu.memory_space<semaphore_mem>> -> memref<1x!tpu.dma_semaphore, #tpu.memory_space<semaphore_mem>>
      %dma_start3A_394 = tpu.memref_squeeze %dma_start3A_393 : memref<1x!tpu.dma_semaphore, #tpu.memory_space<semaphore_mem>> -> memref<!tpu.dma_semaphore, #tpu.memory_space<semaphore_mem>>
      tpu.enqueue_indirect_dma source(%dma_start3A_386 : memref<125x64xf32, #tpu.memory_space<vmem>>) target(%dma_start3A_392 : memref<10000x64xf32, #tpu.memory_space<vmem_shared>>) offsets(%dma_start3A_389 : memref<125xi32, #tpu.memory_space<vmem>>) semaphore(%dma_start3A_394 : memref<!tpu.dma_semaphore, #tpu.memory_space<semaphore_mem>>) {add = true}
      %add3A_395 = arith.constant 1 : i32
      %add3A_396 = arith.addi %mul3A_360, %add3A_395 : i32
      %dma_wait3A_397 = arith.constant 1 : i32
      %dma_wait3A_398 = arith.constant 1 : i32
      %dma_wait3A_399 = arith.constant 0 : i32
      %dma_wait3A_400 = arith.constant 0 : i32
      %dma_wait3A_401 = tpu.memref_slice %arg7[%dma_wait3A_397, %dma_wait3A_399, %dma_wait3A_400] : memref<5x125x64xf32, #tpu.memory_space<vmem>> -> memref<1x125x64xf32, #tpu.memory_space<vmem>>
      %dma_wait3A_402 = tpu.memref_squeeze %dma_wait3A_401 : memref<1x125x64xf32, #tpu.memory_space<vmem>> -> memref<125x64xf32, #tpu.memory_space<vmem>>
      %dma_wait3A_403 = arith.constant 0 : i32
      %dma_wait3A_404 = tpu.memref_slice %arg6[%add3A_396, %dma_wait3A_403] : memref<160x125xi32, #tpu.memory_space<vmem>> -> memref<1x125xi32, #tpu.memory_space<vmem>>
      %dma_wait3A_405 = tpu.memref_squeeze %dma_wait3A_404 : memref<1x125xi32, #tpu.memory_space<vmem>> -> memref<125xi32, #tpu.memory_space<vmem>>
      %dma_wait3A_406 = arith.constant 0 : i32
      %dma_wait3A_407 = tpu.memref_slice %arg3[%arg0, %dma_wait3A_406] : memref<20000x64xf32, #tpu.memory_space<hbm>> -> memref<19999x64xf32, #tpu.memory_space<hbm>>
      %dma_wait3A_408 = arith.constant 0 : i32
      %dma_wait3A_409 = arith.constant 0 : i32
      %dma_wait3A_410 = tpu.memref_slice %dma_wait3A_407[%dma_wait3A_408, %dma_wait3A_409] : memref<19999x64xf32, #tpu.memory_space<hbm>> -> memref<19999x64xf32, #tpu.memory_space<hbm>>
      %dma_wait3A_411 = tpu.memref_slice %arg9[%dma_wait3A_398] : memref<5x!tpu.dma_semaphore, #tpu.memory_space<semaphore_mem>> -> memref<1x!tpu.dma_semaphore, #tpu.memory_space<semaphore_mem>>
      %dma_wait3A_412 = tpu.memref_squeeze %dma_wait3A_411 : memref<1x!tpu.dma_semaphore, #tpu.memory_space<semaphore_mem>> -> memref<!tpu.dma_semaphore, #tpu.memory_space<semaphore_mem>>
      tpu.wait_indirect_dma semaphore(%dma_wait3A_412 : memref<!tpu.dma_semaphore, #tpu.memory_space<semaphore_mem>>) src(%dma_wait3A_410 : memref<19999x64xf32, #tpu.memory_space<hbm>>) dst(%dma_wait3A_402 : memref<125x64xf32, #tpu.memory_space<vmem>>)
      %add3A_413 = arith.constant 1 : i32
      %add3A_414 = arith.addi %mul3A_360, %add3A_413 : i32
      %dma_start3A_415 = arith.constant 1 : i32
      %dma_start3A_416 = arith.constant 1 : i32
      %dma_start3A_417 = arith.constant 0 : i32
      %dma_start3A_418 = arith.constant 0 : i32
      %dma_start3A_419 = tpu.memref_slice %arg7[%dma_start3A_415, %dma_start3A_417, %dma_start3A_418] : memref<5x125x64xf32, #tpu.memory_space<vmem>> -> memref<1x125x64xf32, #tpu.memory_space<vmem>>
      %dma_start3A_420 = tpu.memref_squeeze %dma_start3A_419 : memref<1x125x64xf32, #tpu.memory_space<vmem>> -> memref<125x64xf32, #tpu.memory_space<vmem>>
      %dma_start3A_421 = arith.constant 0 : i32
      %dma_start3A_422 = tpu.memref_slice %arg5[%add3A_414, %dma_start3A_421] : memref<160x125xi32, #tpu.memory_space<vmem>> -> memref<1x125xi32, #tpu.memory_space<vmem>>
      %dma_start3A_423 = tpu.memref_squeeze %dma_start3A_422 : memref<1x125xi32, #tpu.memory_space<vmem>> -> memref<125xi32, #tpu.memory_space<vmem>>
      %dma_start3A_424 = arith.constant 0 : i32
      %dma_start3A_425 = arith.constant 0 : i32
      %dma_start3A_426 = tpu.memref_slice %arg8[%dma_start3A_424, %dma_start3A_425] : memref<10000x64xf32, #tpu.memory_space<vmem_shared>> -> memref<10000x64xf32, #tpu.memory_space<vmem_shared>>
      %dma_start3A_427 = tpu.memref_slice %arg10[%dma_start3A_416] : memref<5x!tpu.dma_semaphore, #tpu.memory_space<semaphore_mem>> -> memref<1x!tpu.dma_semaphore, #tpu.memory_space<semaphore_mem>>
      %dma_start3A_428 = tpu.memref_squeeze %dma_start3A_427 : memref<1x!tpu.dma_semaphore, #tpu.memory_space<semaphore_mem>> -> memref<!tpu.dma_semaphore, #tpu.memory_space<semaphore_mem>>
      tpu.enqueue_indirect_dma source(%dma_start3A_420 : memref<125x64xf32, #tpu.memory_space<vmem>>) target(%dma_start3A_426 : memref<10000x64xf32, #tpu.memory_space<vmem_shared>>) offsets(%dma_start3A_423 : memref<125xi32, #tpu.memory_space<vmem>>) semaphore(%dma_start3A_428 : memref<!tpu.dma_semaphore, #tpu.memory_space<semaphore_mem>>) {add = true}
      %add3A_429 = arith.constant 2 : i32
      %add3A_430 = arith.addi %mul3A_360, %add3A_429 : i32
      %dma_wait3A_431 = arith.constant 2 : i32
      %dma_wait3A_432 = arith.constant 2 : i32
      %dma_wait3A_433 = arith.constant 0 : i32
      %dma_wait3A_434 = arith.constant 0 : i32
      %dma_wait3A_435 = tpu.memref_slice %arg7[%dma_wait3A_431, %dma_wait3A_433, %dma_wait3A_434] : memref<5x125x64xf32, #tpu.memory_space<vmem>> -> memref<1x125x64xf32, #tpu.memory_space<vmem>>
      %dma_wait3A_436 = tpu.memref_squeeze %dma_wait3A_435 : memref<1x125x64xf32, #tpu.memory_space<vmem>> -> memref<125x64xf32, #tpu.memory_space<vmem>>
      %dma_wait3A_437 = arith.constant 0 : i32
      %dma_wait3A_438 = tpu.memref_slice %arg6[%add3A_430, %dma_wait3A_437] : memref<160x125xi32, #tpu.memory_space<vmem>> -> memref<1x125xi32, #tpu.memory_space<vmem>>
      %dma_wait3A_439 = tpu.memref_squeeze %dma_wait3A_438 : memref<1x125xi32, #tpu.memory_space<vmem>> -> memref<125xi32, #tpu.memory_space<vmem>>
      %dma_wait3A_440 = arith.constant 0 : i32
      %dma_wait3A_441 = tpu.memref_slice %arg3[%arg0, %dma_wait3A_440] : memref<20000x64xf32, #tpu.memory_space<hbm>> -> memref<19999x64xf32, #tpu.memory_space<hbm>>
      %dma_wait3A_442 = arith.constant 0 : i32
      %dma_wait3A_443 = arith.constant 0 : i32
      %dma_wait3A_444 = tpu.memref_slice %dma_wait3A_441[%dma_wait3A_442, %dma_wait3A_443] : memref<19999x64xf32, #tpu.memory_space<hbm>> -> memref<19999x64xf32, #tpu.memory_space<hbm>>
      %dma_wait3A_445 = tpu.memref_slice %arg9[%dma_wait3A_432] : memref<5x!tpu.dma_semaphore, #tpu.memory_space<semaphore_mem>> -> memref<1x!tpu.dma_semaphore, #tpu.memory_space<semaphore_mem>>
      %dma_wait3A_446 = tpu.memref_squeeze %dma_wait3A_445 : memref<1x!tpu.dma_semaphore, #tpu.memory_space<semaphore_mem>> -> memref<!tpu.dma_semaphore, #tpu.memory_space<semaphore_mem>>
      tpu.wait_indirect_dma semaphore(%dma_wait3A_446 : memref<!tpu.dma_semaphore, #tpu.memory_space<semaphore_mem>>) src(%dma_wait3A_444 : memref<19999x64xf32, #tpu.memory_space<hbm>>) dst(%dma_wait3A_436 : memref<125x64xf32, #tpu.memory_space<vmem>>)
      %add3A_447 = arith.constant 2 : i32
      %add3A_448 = arith.addi %mul3A_360, %add3A_447 : i32
      %dma_start3A_449 = arith.constant 2 : i32
      %dma_start3A_450 = arith.constant 2 : i32
      %dma_start3A_451 = arith.constant 0 : i32
      %dma_start3A_452 = arith.constant 0 : i32
      %dma_start3A_453 = tpu.memref_slice %arg7[%dma_start3A_449, %dma_start3A_451, %dma_start3A_452] : memref<5x125x64xf32, #tpu.memory_space<vmem>> -> memref<1x125x64xf32, #tpu.memory_space<vmem>>
      %dma_start3A_454 = tpu.memref_squeeze %dma_start3A_453 : memref<1x125x64xf32, #tpu.memory_space<vmem>> -> memref<125x64xf32, #tpu.memory_space<vmem>>
      %dma_start3A_455 = arith.constant 0 : i32
      %dma_start3A_456 = tpu.memref_slice %arg5[%add3A_448, %dma_start3A_455] : memref<160x125xi32, #tpu.memory_space<vmem>> -> memref<1x125xi32, #tpu.memory_space<vmem>>
      %dma_start3A_457 = tpu.memref_squeeze %dma_start3A_456 : memref<1x125xi32, #tpu.memory_space<vmem>> -> memref<125xi32, #tpu.memory_space<vmem>>
      %dma_start3A_458 = arith.constant 0 : i32
      %dma_start3A_459 = arith.constant 0 : i32
      %dma_start3A_460 = tpu.memref_slice %arg8[%dma_start3A_458, %dma_start3A_459] : memref<10000x64xf32, #tpu.memory_space<vmem_shared>> -> memref<10000x64xf32, #tpu.memory_space<vmem_shared>>
      %dma_start3A_461 = tpu.memref_slice %arg10[%dma_start3A_450] : memref<5x!tpu.dma_semaphore, #tpu.memory_space<semaphore_mem>> -> memref<1x!tpu.dma_semaphore, #tpu.memory_space<semaphore_mem>>
      %dma_start3A_462 = tpu.memref_squeeze %dma_start3A_461 : memref<1x!tpu.dma_semaphore, #tpu.memory_space<semaphore_mem>> -> memref<!tpu.dma_semaphore, #tpu.memory_space<semaphore_mem>>
      tpu.enqueue_indirect_dma source(%dma_start3A_454 : memref<125x64xf32, #tpu.memory_space<vmem>>) target(%dma_start3A_460 : memref<10000x64xf32, #tpu.memory_space<vmem_shared>>) offsets(%dma_start3A_457 : memref<125xi32, #tpu.memory_space<vmem>>) semaphore(%dma_start3A_462 : memref<!tpu.dma_semaphore, #tpu.memory_space<semaphore_mem>>) {add = true}
      %add3A_463 = arith.constant 3 : i32
      %add3A_464 = arith.addi %mul3A_360, %add3A_463 : i32
      %dma_wait3A_465 = arith.constant 3 : i32
      %dma_wait3A_466 = arith.constant 3 : i32
      %dma_wait3A_467 = arith.constant 0 : i32
      %dma_wait3A_468 = arith.constant 0 : i32
      %dma_wait3A_469 = tpu.memref_slice %arg7[%dma_wait3A_465, %dma_wait3A_467, %dma_wait3A_468] : memref<5x125x64xf32, #tpu.memory_space<vmem>> -> memref<1x125x64xf32, #tpu.memory_space<vmem>>
      %dma_wait3A_470 = tpu.memref_squeeze %dma_wait3A_469 : memref<1x125x64xf32, #tpu.memory_space<vmem>> -> memref<125x64xf32, #tpu.memory_space<vmem>>
      %dma_wait3A_471 = arith.constant 0 : i32
      %dma_wait3A_472 = tpu.memref_slice %arg6[%add3A_464, %dma_wait3A_471] : memref<160x125xi32, #tpu.memory_space<vmem>> -> memref<1x125xi32, #tpu.memory_space<vmem>>
      %dma_wait3A_473 = tpu.memref_squeeze %dma_wait3A_472 : memref<1x125xi32, #tpu.memory_space<vmem>> -> memref<125xi32, #tpu.memory_space<vmem>>
      %dma_wait3A_474 = arith.constant 0 : i32
      %dma_wait3A_475 = tpu.memref_slice %arg3[%arg0, %dma_wait3A_474] : memref<20000x64xf32, #tpu.memory_space<hbm>> -> memref<19999x64xf32, #tpu.memory_space<hbm>>
      %dma_wait3A_476 = arith.constant 0 : i32
      %dma_wait3A_477 = arith.constant 0 : i32
      %dma_wait3A_478 = tpu.memref_slice %dma_wait3A_475[%dma_wait3A_476, %dma_wait3A_477] : memref<19999x64xf32, #tpu.memory_space<hbm>> -> memref<19999x64xf32, #tpu.memory_space<hbm>>
      %dma_wait3A_479 = tpu.memref_slice %arg9[%dma_wait3A_466] : memref<5x!tpu.dma_semaphore, #tpu.memory_space<semaphore_mem>> -> memref<1x!tpu.dma_semaphore, #tpu.memory_space<semaphore_mem>>
      %dma_wait3A_480 = tpu.memref_squeeze %dma_wait3A_479 : memref<1x!tpu.dma_semaphore, #tpu.memory_space<semaphore_mem>> -> memref<!tpu.dma_semaphore, #tpu.memory_space<semaphore_mem>>
      tpu.wait_indirect_dma semaphore(%dma_wait3A_480 : memref<!tpu.dma_semaphore, #tpu.memory_space<semaphore_mem>>) src(%dma_wait3A_478 : memref<19999x64xf32, #tpu.memory_space<hbm>>) dst(%dma_wait3A_470 : memref<125x64xf32, #tpu.memory_space<vmem>>)
      %add3A_481 = arith.constant 3 : i32
      %add3A_482 = arith.addi %mul3A_360, %add3A_481 : i32
      %dma_start3A_483 = arith.constant 3 : i32
      %dma_start3A_484 = arith.constant 3 : i32
      %dma_start3A_485 = arith.constant 0 : i32
      %dma_start3A_486 = arith.constant 0 : i32
      %dma_start3A_487 = tpu.memref_slice %arg7[%dma_start3A_483, %dma_start3A_485, %dma_start3A_486] : memref<5x125x64xf32, #tpu.memory_space<vmem>> -> memref<1x125x64xf32, #tpu.memory_space<vmem>>
      %dma_start3A_488 = tpu.memref_squeeze %dma_start3A_487 : memref<1x125x64xf32, #tpu.memory_space<vmem>> -> memref<125x64xf32, #tpu.memory_space<vmem>>
      %dma_start3A_489 = arith.constant 0 : i32
      %dma_start3A_490 = tpu.memref_slice %arg5[%add3A_482, %dma_start3A_489] : memref<160x125xi32, #tpu.memory_space<vmem>> -> memref<1x125xi32, #tpu.memory_space<vmem>>
      %dma_start3A_491 = tpu.memref_squeeze %dma_start3A_490 : memref<1x125xi32, #tpu.memory_space<vmem>> -> memref<125xi32, #tpu.memory_space<vmem>>
      %dma_start3A_492 = arith.constant 0 : i32
      %dma_start3A_493 = arith.constant 0 : i32
      %dma_start3A_494 = tpu.memref_slice %arg8[%dma_start3A_492, %dma_start3A_493] : memref<10000x64xf32, #tpu.memory_space<vmem_shared>> -> memref<10000x64xf32, #tpu.memory_space<vmem_shared>>
      %dma_start3A_495 = tpu.memref_slice %arg10[%dma_start3A_484] : memref<5x!tpu.dma_semaphore, #tpu.memory_space<semaphore_mem>> -> memref<1x!tpu.dma_semaphore, #tpu.memory_space<semaphore_mem>>
      %dma_start3A_496 = tpu.memref_squeeze %dma_start3A_495 : memref<1x!tpu.dma_semaphore, #tpu.memory_space<semaphore_mem>> -> memref<!tpu.dma_semaphore, #tpu.memory_space<semaphore_mem>>
      tpu.enqueue_indirect_dma source(%dma_start3A_488 : memref<125x64xf32, #tpu.memory_space<vmem>>) target(%dma_start3A_494 : memref<10000x64xf32, #tpu.memory_space<vmem_shared>>) offsets(%dma_start3A_491 : memref<125xi32, #tpu.memory_space<vmem>>) semaphore(%dma_start3A_496 : memref<!tpu.dma_semaphore, #tpu.memory_space<semaphore_mem>>) {add = true}
      %add3A_497 = arith.constant 4 : i32
      %add3A_498 = arith.addi %mul3A_360, %add3A_497 : i32
      %dma_wait3A_499 = arith.constant 4 : i32
      %dma_wait3A_500 = arith.constant 4 : i32
      %dma_wait3A_501 = arith.constant 0 : i32
      %dma_wait3A_502 = arith.constant 0 : i32
      %dma_wait3A_503 = tpu.memref_slice %arg7[%dma_wait3A_499, %dma_wait3A_501, %dma_wait3A_502] : memref<5x125x64xf32, #tpu.memory_space<vmem>> -> memref<1x125x64xf32, #tpu.memory_space<vmem>>
      %dma_wait3A_504 = tpu.memref_squeeze %dma_wait3A_503 : memref<1x125x64xf32, #tpu.memory_space<vmem>> -> memref<125x64xf32, #tpu.memory_space<vmem>>
      %dma_wait3A_505 = arith.constant 0 : i32
      %dma_wait3A_506 = tpu.memref_slice %arg6[%add3A_498, %dma_wait3A_505] : memref<160x125xi32, #tpu.memory_space<vmem>> -> memref<1x125xi32, #tpu.memory_space<vmem>>
      %dma_wait3A_507 = tpu.memref_squeeze %dma_wait3A_506 : memref<1x125xi32, #tpu.memory_space<vmem>> -> memref<125xi32, #tpu.memory_space<vmem>>
      %dma_wait3A_508 = arith.constant 0 : i32
      %dma_wait3A_509 = tpu.memref_slice %arg3[%arg0, %dma_wait3A_508] : memref<20000x64xf32, #tpu.memory_space<hbm>> -> memref<19999x64xf32, #tpu.memory_space<hbm>>
      %dma_wait3A_510 = arith.constant 0 : i32
      %dma_wait3A_511 = arith.constant 0 : i32
      %dma_wait3A_512 = tpu.memref_slice %dma_wait3A_509[%dma_wait3A_510, %dma_wait3A_511] : memref<19999x64xf32, #tpu.memory_space<hbm>> -> memref<19999x64xf32, #tpu.memory_space<hbm>>
      %dma_wait3A_513 = tpu.memref_slice %arg9[%dma_wait3A_500] : memref<5x!tpu.dma_semaphore, #tpu.memory_space<semaphore_mem>> -> memref<1x!tpu.dma_semaphore, #tpu.memory_space<semaphore_mem>>
      %dma_wait3A_514 = tpu.memref_squeeze %dma_wait3A_513 : memref<1x!tpu.dma_semaphore, #tpu.memory_space<semaphore_mem>> -> memref<!tpu.dma_semaphore, #tpu.memory_space<semaphore_mem>>
      tpu.wait_indirect_dma semaphore(%dma_wait3A_514 : memref<!tpu.dma_semaphore, #tpu.memory_space<semaphore_mem>>) src(%dma_wait3A_512 : memref<19999x64xf32, #tpu.memory_space<hbm>>) dst(%dma_wait3A_504 : memref<125x64xf32, #tpu.memory_space<vmem>>)
      %add3A_515 = arith.constant 4 : i32
      %add3A_516 = arith.addi %mul3A_360, %add3A_515 : i32
      %dma_start3A_517 = arith.constant 4 : i32
      %dma_start3A_518 = arith.constant 4 : i32
      %dma_start3A_519 = arith.constant 0 : i32
      %dma_start3A_520 = arith.constant 0 : i32
      %dma_start3A_521 = tpu.memref_slice %arg7[%dma_start3A_517, %dma_start3A_519, %dma_start3A_520] : memref<5x125x64xf32, #tpu.memory_space<vmem>> -> memref<1x125x64xf32, #tpu.memory_space<vmem>>
      %dma_start3A_522 = tpu.memref_squeeze %dma_start3A_521 : memref<1x125x64xf32, #tpu.memory_space<vmem>> -> memref<125x64xf32, #tpu.memory_space<vmem>>
      %dma_start3A_523 = arith.constant 0 : i32
      %dma_start3A_524 = tpu.memref_slice %arg5[%add3A_516, %dma_start3A_523] : memref<160x125xi32, #tpu.memory_space<vmem>> -> memref<1x125xi32, #tpu.memory_space<vmem>>
      %dma_start3A_525 = tpu.memref_squeeze %dma_start3A_524 : memref<1x125xi32, #tpu.memory_space<vmem>> -> memref<125xi32, #tpu.memory_space<vmem>>
      %dma_start3A_526 = arith.constant 0 : i32
      %dma_start3A_527 = arith.constant 0 : i32
      %dma_start3A_528 = tpu.memref_slice %arg8[%dma_start3A_526, %dma_start3A_527] : memref<10000x64xf32, #tpu.memory_space<vmem_shared>> -> memref<10000x64xf32, #tpu.memory_space<vmem_shared>>
      %dma_start3A_529 = tpu.memref_slice %arg10[%dma_start3A_518] : memref<5x!tpu.dma_semaphore, #tpu.memory_space<semaphore_mem>> -> memref<1x!tpu.dma_semaphore, #tpu.memory_space<semaphore_mem>>
      %dma_start3A_530 = tpu.memref_squeeze %dma_start3A_529 : memref<1x!tpu.dma_semaphore, #tpu.memory_space<semaphore_mem>> -> memref<!tpu.dma_semaphore, #tpu.memory_space<semaphore_mem>>
      tpu.enqueue_indirect_dma source(%dma_start3A_522 : memref<125x64xf32, #tpu.memory_space<vmem>>) target(%dma_start3A_528 : memref<10000x64xf32, #tpu.memory_space<vmem_shared>>) offsets(%dma_start3A_525 : memref<125xi32, #tpu.memory_space<vmem>>) semaphore(%dma_start3A_530 : memref<!tpu.dma_semaphore, #tpu.memory_space<semaphore_mem>>) {add = true}
      %add3A_531 = arith.constant 0 : i32
      %add3A_532 = arith.addi %mul3A_360, %add3A_531 : i32
      %dma_wait3A_533 = arith.constant 0 : i32
      %dma_wait3A_534 = arith.constant 0 : i32
      %dma_wait3A_535 = arith.constant 0 : i32
      %dma_wait3A_536 = arith.constant 0 : i32
      %dma_wait3A_537 = tpu.memref_slice %arg7[%dma_wait3A_533, %dma_wait3A_535, %dma_wait3A_536] : memref<5x125x64xf32, #tpu.memory_space<vmem>> -> memref<1x125x64xf32, #tpu.memory_space<vmem>>
      %dma_wait3A_538 = tpu.memref_squeeze %dma_wait3A_537 : memref<1x125x64xf32, #tpu.memory_space<vmem>> -> memref<125x64xf32, #tpu.memory_space<vmem>>
      %dma_wait3A_539 = arith.constant 0 : i32
      %dma_wait3A_540 = tpu.memref_slice %arg5[%add3A_532, %dma_wait3A_539] : memref<160x125xi32, #tpu.memory_space<vmem>> -> memref<1x125xi32, #tpu.memory_space<vmem>>
      %dma_wait3A_541 = tpu.memref_squeeze %dma_wait3A_540 : memref<1x125xi32, #tpu.memory_space<vmem>> -> memref<125xi32, #tpu.memory_space<vmem>>
      %dma_wait3A_542 = arith.constant 0 : i32
      %dma_wait3A_543 = arith.constant 0 : i32
      %dma_wait3A_544 = tpu.memref_slice %arg8[%dma_wait3A_542, %dma_wait3A_543] : memref<10000x64xf32, #tpu.memory_space<vmem_shared>> -> memref<10000x64xf32, #tpu.memory_space<vmem_shared>>
      %dma_wait3A_545 = tpu.memref_slice %arg10[%dma_wait3A_534] : memref<5x!tpu.dma_semaphore, #tpu.memory_space<semaphore_mem>> -> memref<1x!tpu.dma_semaphore, #tpu.memory_space<semaphore_mem>>
      %dma_wait3A_546 = tpu.memref_squeeze %dma_wait3A_545 : memref<1x!tpu.dma_semaphore, #tpu.memory_space<semaphore_mem>> -> memref<!tpu.dma_semaphore, #tpu.memory_space<semaphore_mem>>
      tpu.wait_indirect_dma semaphore(%dma_wait3A_546 : memref<!tpu.dma_semaphore, #tpu.memory_space<semaphore_mem>>) src(%dma_wait3A_538 : memref<125x64xf32, #tpu.memory_space<vmem>>) dst(%dma_wait3A_544 : memref<10000x64xf32, #tpu.memory_space<vmem_shared>>)
      %add3A_547 = arith.constant 5 : i32
      %add3A_548 = arith.addi %mul3A_360, %add3A_547 : i32
      %add3A_549 = arith.constant 0 : i32
      %add3A_550 = arith.addi %add3A_548, %add3A_549 : i32
      %dma_start3A_551 = arith.constant 0 : i32
      %dma_start3A_552 = arith.constant 0 : i32
      %dma_start3A_553 = arith.constant 0 : i32
      %dma_start3A_554 = arith.constant 0 : i32
      %dma_start3A_555 = tpu.memref_slice %arg7[%dma_start3A_551, %dma_start3A_553, %dma_start3A_554] : memref<5x125x64xf32, #tpu.memory_space<vmem>> -> memref<1x125x64xf32, #tpu.memory_space<vmem>>
      %dma_start3A_556 = tpu.memref_squeeze %dma_start3A_555 : memref<1x125x64xf32, #tpu.memory_space<vmem>> -> memref<125x64xf32, #tpu.memory_space<vmem>>
      %dma_start3A_557 = arith.constant 0 : i32
      %dma_start3A_558 = tpu.memref_slice %arg6[%add3A_550, %dma_start3A_557] : memref<160x125xi32, #tpu.memory_space<vmem>> -> memref<1x125xi32, #tpu.memory_space<vmem>>
      %dma_start3A_559 = tpu.memref_squeeze %dma_start3A_558 : memref<1x125xi32, #tpu.memory_space<vmem>> -> memref<125xi32, #tpu.memory_space<vmem>>
      %dma_start3A_560 = arith.constant 0 : i32
      %dma_start3A_561 = tpu.memref_slice %arg3[%arg0, %dma_start3A_560] : memref<20000x64xf32, #tpu.memory_space<hbm>> -> memref<19999x64xf32, #tpu.memory_space<hbm>>
      %dma_start3A_562 = arith.constant 0 : i32
      %dma_start3A_563 = arith.constant 0 : i32
      %dma_start3A_564 = tpu.memref_slice %dma_start3A_561[%dma_start3A_562, %dma_start3A_563] : memref<19999x64xf32, #tpu.memory_space<hbm>> -> memref<19999x64xf32, #tpu.memory_space<hbm>>
      %dma_start3A_565 = tpu.memref_slice %arg9[%dma_start3A_552] : memref<5x!tpu.dma_semaphore, #tpu.memory_space<semaphore_mem>> -> memref<1x!tpu.dma_semaphore, #tpu.memory_space<semaphore_mem>>
      %dma_start3A_566 = tpu.memref_squeeze %dma_start3A_565 : memref<1x!tpu.dma_semaphore, #tpu.memory_space<semaphore_mem>> -> memref<!tpu.dma_semaphore, #tpu.memory_space<semaphore_mem>>
      tpu.enqueue_indirect_dma source(%dma_start3A_564 : memref<19999x64xf32, #tpu.memory_space<hbm>>) target(%dma_start3A_556 : memref<125x64xf32, #tpu.memory_space<vmem>>) offsets(%dma_start3A_559 : memref<125xi32, #tpu.memory_space<vmem>>) semaphore(%dma_start3A_566 : memref<!tpu.dma_semaphore, #tpu.memory_space<semaphore_mem>>)
      %add3A_567 = arith.constant 1 : i32
      %add3A_568 = arith.addi %mul3A_360, %add3A_567 : i32
      %dma_wait3A_569 = arith.constant 1 : i32
      %dma_wait3A_570 = arith.constant 1 : i32
      %dma_wait3A_571 = arith.constant 0 : i32
      %dma_wait3A_572 = arith.constant 0 : i32
      %dma_wait3A_573 = tpu.memref_slice %arg7[%dma_wait3A_569, %dma_wait3A_571, %dma_wait3A_572] : memref<5x125x64xf32, #tpu.memory_space<vmem>> -> memref<1x125x64xf32, #tpu.memory_space<vmem>>
      %dma_wait3A_574 = tpu.memref_squeeze %dma_wait3A_573 : memref<1x125x64xf32, #tpu.memory_space<vmem>> -> memref<125x64xf32, #tpu.memory_space<vmem>>
      %dma_wait3A_575 = arith.constant 0 : i32
      %dma_wait3A_576 = tpu.memref_slice %arg5[%add3A_568, %dma_wait3A_575] : memref<160x125xi32, #tpu.memory_space<vmem>> -> memref<1x125xi32, #tpu.memory_space<vmem>>
      %dma_wait3A_577 = tpu.memref_squeeze %dma_wait3A_576 : memref<1x125xi32, #tpu.memory_space<vmem>> -> memref<125xi32, #tpu.memory_space<vmem>>
      %dma_wait3A_578 = arith.constant 0 : i32
      %dma_wait3A_579 = arith.constant 0 : i32
      %dma_wait3A_580 = tpu.memref_slice %arg8[%dma_wait3A_578, %dma_wait3A_579] : memref<10000x64xf32, #tpu.memory_space<vmem_shared>> -> memref<10000x64xf32, #tpu.memory_space<vmem_shared>>
      %dma_wait3A_581 = tpu.memref_slice %arg10[%dma_wait3A_570] : memref<5x!tpu.dma_semaphore, #tpu.memory_space<semaphore_mem>> -> memref<1x!tpu.dma_semaphore, #tpu.memory_space<semaphore_mem>>
      %dma_wait3A_582 = tpu.memref_squeeze %dma_wait3A_581 : memref<1x!tpu.dma_semaphore, #tpu.memory_space<semaphore_mem>> -> memref<!tpu.dma_semaphore, #tpu.memory_space<semaphore_mem>>
      tpu.wait_indirect_dma semaphore(%dma_wait3A_582 : memref<!tpu.dma_semaphore, #tpu.memory_space<semaphore_mem>>) src(%dma_wait3A_574 : memref<125x64xf32, #tpu.memory_space<vmem>>) dst(%dma_wait3A_580 : memref<10000x64xf32, #tpu.memory_space<vmem_shared>>)
      %add3A_583 = arith.constant 5 : i32
      %add3A_584 = arith.addi %mul3A_360, %add3A_583 : i32
      %add3A_585 = arith.constant 1 : i32
      %add3A_586 = arith.addi %add3A_584, %add3A_585 : i32
      %dma_start3A_587 = arith.constant 1 : i32
      %dma_start3A_588 = arith.constant 1 : i32
      %dma_start3A_589 = arith.constant 0 : i32
      %dma_start3A_590 = arith.constant 0 : i32
      %dma_start3A_591 = tpu.memref_slice %arg7[%dma_start3A_587, %dma_start3A_589, %dma_start3A_590] : memref<5x125x64xf32, #tpu.memory_space<vmem>> -> memref<1x125x64xf32, #tpu.memory_space<vmem>>
      %dma_start3A_592 = tpu.memref_squeeze %dma_start3A_591 : memref<1x125x64xf32, #tpu.memory_space<vmem>> -> memref<125x64xf32, #tpu.memory_space<vmem>>
      %dma_start3A_593 = arith.constant 0 : i32
      %dma_start3A_594 = tpu.memref_slice %arg6[%add3A_586, %dma_start3A_593] : memref<160x125xi32, #tpu.memory_space<vmem>> -> memref<1x125xi32, #tpu.memory_space<vmem>>
      %dma_start3A_595 = tpu.memref_squeeze %dma_start3A_594 : memref<1x125xi32, #tpu.memory_space<vmem>> -> memref<125xi32, #tpu.memory_space<vmem>>
      %dma_start3A_596 = arith.constant 0 : i32
      %dma_start3A_597 = tpu.memref_slice %arg3[%arg0, %dma_start3A_596] : memref<20000x64xf32, #tpu.memory_space<hbm>> -> memref<19999x64xf32, #tpu.memory_space<hbm>>
      %dma_start3A_598 = arith.constant 0 : i32
      %dma_start3A_599 = arith.constant 0 : i32
      %dma_start3A_600 = tpu.memref_slice %dma_start3A_597[%dma_start3A_598, %dma_start3A_599] : memref<19999x64xf32, #tpu.memory_space<hbm>> -> memref<19999x64xf32, #tpu.memory_space<hbm>>
      %dma_start3A_601 = tpu.memref_slice %arg9[%dma_start3A_588] : memref<5x!tpu.dma_semaphore, #tpu.memory_space<semaphore_mem>> -> memref<1x!tpu.dma_semaphore, #tpu.memory_space<semaphore_mem>>
      %dma_start3A_602 = tpu.memref_squeeze %dma_start3A_601 : memref<1x!tpu.dma_semaphore, #tpu.memory_space<semaphore_mem>> -> memref<!tpu.dma_semaphore, #tpu.memory_space<semaphore_mem>>
      tpu.enqueue_indirect_dma source(%dma_start3A_600 : memref<19999x64xf32, #tpu.memory_space<hbm>>) target(%dma_start3A_592 : memref<125x64xf32, #tpu.memory_space<vmem>>) offsets(%dma_start3A_595 : memref<125xi32, #tpu.memory_space<vmem>>) semaphore(%dma_start3A_602 : memref<!tpu.dma_semaphore, #tpu.memory_space<semaphore_mem>>)
      %add3A_603 = arith.constant 2 : i32
      %add3A_604 = arith.addi %mul3A_360, %add3A_603 : i32
      %dma_wait3A_605 = arith.constant 2 : i32
      %dma_wait3A_606 = arith.constant 2 : i32
      %dma_wait3A_607 = arith.constant 0 : i32
      %dma_wait3A_608 = arith.constant 0 : i32
      %dma_wait3A_609 = tpu.memref_slice %arg7[%dma_wait3A_605, %dma_wait3A_607, %dma_wait3A_608] : memref<5x125x64xf32, #tpu.memory_space<vmem>> -> memref<1x125x64xf32, #tpu.memory_space<vmem>>
      %dma_wait3A_610 = tpu.memref_squeeze %dma_wait3A_609 : memref<1x125x64xf32, #tpu.memory_space<vmem>> -> memref<125x64xf32, #tpu.memory_space<vmem>>
      %dma_wait3A_611 = arith.constant 0 : i32
      %dma_wait3A_612 = tpu.memref_slice %arg5[%add3A_604, %dma_wait3A_611] : memref<160x125xi32, #tpu.memory_space<vmem>> -> memref<1x125xi32, #tpu.memory_space<vmem>>
      %dma_wait3A_613 = tpu.memref_squeeze %dma_wait3A_612 : memref<1x125xi32, #tpu.memory_space<vmem>> -> memref<125xi32, #tpu.memory_space<vmem>>
      %dma_wait3A_614 = arith.constant 0 : i32
      %dma_wait3A_615 = arith.constant 0 : i32
      %dma_wait3A_616 = tpu.memref_slice %arg8[%dma_wait3A_614, %dma_wait3A_615] : memref<10000x64xf32, #tpu.memory_space<vmem_shared>> -> memref<10000x64xf32, #tpu.memory_space<vmem_shared>>
      %dma_wait3A_617 = tpu.memref_slice %arg10[%dma_wait3A_606] : memref<5x!tpu.dma_semaphore, #tpu.memory_space<semaphore_mem>> -> memref<1x!tpu.dma_semaphore, #tpu.memory_space<semaphore_mem>>
      %dma_wait3A_618 = tpu.memref_squeeze %dma_wait3A_617 : memref<1x!tpu.dma_semaphore, #tpu.memory_space<semaphore_mem>> -> memref<!tpu.dma_semaphore, #tpu.memory_space<semaphore_mem>>
      tpu.wait_indirect_dma semaphore(%dma_wait3A_618 : memref<!tpu.dma_semaphore, #tpu.memory_space<semaphore_mem>>) src(%dma_wait3A_610 : memref<125x64xf32, #tpu.memory_space<vmem>>) dst(%dma_wait3A_616 : memref<10000x64xf32, #tpu.memory_space<vmem_shared>>)
      %add3A_619 = arith.constant 5 : i32
      %add3A_620 = arith.addi %mul3A_360, %add3A_619 : i32
      %add3A_621 = arith.constant 2 : i32
      %add3A_622 = arith.addi %add3A_620, %add3A_621 : i32
      %dma_start3A_623 = arith.constant 2 : i32
      %dma_start3A_624 = arith.constant 2 : i32
      %dma_start3A_625 = arith.constant 0 : i32
      %dma_start3A_626 = arith.constant 0 : i32
      %dma_start3A_627 = tpu.memref_slice %arg7[%dma_start3A_623, %dma_start3A_625, %dma_start3A_626] : memref<5x125x64xf32, #tpu.memory_space<vmem>> -> memref<1x125x64xf32, #tpu.memory_space<vmem>>
      %dma_start3A_628 = tpu.memref_squeeze %dma_start3A_627 : memref<1x125x64xf32, #tpu.memory_space<vmem>> -> memref<125x64xf32, #tpu.memory_space<vmem>>
      %dma_start3A_629 = arith.constant 0 : i32
      %dma_start3A_630 = tpu.memref_slice %arg6[%add3A_622, %dma_start3A_629] : memref<160x125xi32, #tpu.memory_space<vmem>> -> memref<1x125xi32, #tpu.memory_space<vmem>>
      %dma_start3A_631 = tpu.memref_squeeze %dma_start3A_630 : memref<1x125xi32, #tpu.memory_space<vmem>> -> memref<125xi32, #tpu.memory_space<vmem>>
      %dma_start3A_632 = arith.constant 0 : i32
      %dma_start3A_633 = tpu.memref_slice %arg3[%arg0, %dma_start3A_632] : memref<20000x64xf32, #tpu.memory_space<hbm>> -> memref<19999x64xf32, #tpu.memory_space<hbm>>
      %dma_start3A_634 = arith.constant 0 : i32
      %dma_start3A_635 = arith.constant 0 : i32
      %dma_start3A_636 = tpu.memref_slice %dma_start3A_633[%dma_start3A_634, %dma_start3A_635] : memref<19999x64xf32, #tpu.memory_space<hbm>> -> memref<19999x64xf32, #tpu.memory_space<hbm>>
      %dma_start3A_637 = tpu.memref_slice %arg9[%dma_start3A_624] : memref<5x!tpu.dma_semaphore, #tpu.memory_space<semaphore_mem>> -> memref<1x!tpu.dma_semaphore, #tpu.memory_space<semaphore_mem>>
      %dma_start3A_638 = tpu.memref_squeeze %dma_start3A_637 : memref<1x!tpu.dma_semaphore, #tpu.memory_space<semaphore_mem>> -> memref<!tpu.dma_semaphore, #tpu.memory_space<semaphore_mem>>
      tpu.enqueue_indirect_dma source(%dma_start3A_636 : memref<19999x64xf32, #tpu.memory_space<hbm>>) target(%dma_start3A_628 : memref<125x64xf32, #tpu.memory_space<vmem>>) offsets(%dma_start3A_631 : memref<125xi32, #tpu.memory_space<vmem>>) semaphore(%dma_start3A_638 : memref<!tpu.dma_semaphore, #tpu.memory_space<semaphore_mem>>)
      %add3A_639 = arith.constant 3 : i32
      %add3A_640 = arith.addi %mul3A_360, %add3A_639 : i32
      %dma_wait3A_641 = arith.constant 3 : i32
      %dma_wait3A_642 = arith.constant 3 : i32
      %dma_wait3A_643 = arith.constant 0 : i32
      %dma_wait3A_644 = arith.constant 0 : i32
      %dma_wait3A_645 = tpu.memref_slice %arg7[%dma_wait3A_641, %dma_wait3A_643, %dma_wait3A_644] : memref<5x125x64xf32, #tpu.memory_space<vmem>> -> memref<1x125x64xf32, #tpu.memory_space<vmem>>
      %dma_wait3A_646 = tpu.memref_squeeze %dma_wait3A_645 : memref<1x125x64xf32, #tpu.memory_space<vmem>> -> memref<125x64xf32, #tpu.memory_space<vmem>>
      %dma_wait3A_647 = arith.constant 0 : i32
      %dma_wait3A_648 = tpu.memref_slice %arg5[%add3A_640, %dma_wait3A_647] : memref<160x125xi32, #tpu.memory_space<vmem>> -> memref<1x125xi32, #tpu.memory_space<vmem>>
      %dma_wait3A_649 = tpu.memref_squeeze %dma_wait3A_648 : memref<1x125xi32, #tpu.memory_space<vmem>> -> memref<125xi32, #tpu.memory_space<vmem>>
      %dma_wait3A_650 = arith.constant 0 : i32
      %dma_wait3A_651 = arith.constant 0 : i32
      %dma_wait3A_652 = tpu.memref_slice %arg8[%dma_wait3A_650, %dma_wait3A_651] : memref<10000x64xf32, #tpu.memory_space<vmem_shared>> -> memref<10000x64xf32, #tpu.memory_space<vmem_shared>>
      %dma_wait3A_653 = tpu.memref_slice %arg10[%dma_wait3A_642] : memref<5x!tpu.dma_semaphore, #tpu.memory_space<semaphore_mem>> -> memref<1x!tpu.dma_semaphore, #tpu.memory_space<semaphore_mem>>
      %dma_wait3A_654 = tpu.memref_squeeze %dma_wait3A_653 : memref<1x!tpu.dma_semaphore, #tpu.memory_space<semaphore_mem>> -> memref<!tpu.dma_semaphore, #tpu.memory_space<semaphore_mem>>
      tpu.wait_indirect_dma semaphore(%dma_wait3A_654 : memref<!tpu.dma_semaphore, #tpu.memory_space<semaphore_mem>>) src(%dma_wait3A_646 : memref<125x64xf32, #tpu.memory_space<vmem>>) dst(%dma_wait3A_652 : memref<10000x64xf32, #tpu.memory_space<vmem_shared>>)
      %add3A_655 = arith.constant 5 : i32
      %add3A_656 = arith.addi %mul3A_360, %add3A_655 : i32
      %add3A_657 = arith.constant 3 : i32
      %add3A_658 = arith.addi %add3A_656, %add3A_657 : i32
      %dma_start3A_659 = arith.constant 3 : i32
      %dma_start3A_660 = arith.constant 3 : i32
      %dma_start3A_661 = arith.constant 0 : i32
      %dma_start3A_662 = arith.constant 0 : i32
      %dma_start3A_663 = tpu.memref_slice %arg7[%dma_start3A_659, %dma_start3A_661, %dma_start3A_662] : memref<5x125x64xf32, #tpu.memory_space<vmem>> -> memref<1x125x64xf32, #tpu.memory_space<vmem>>
      %dma_start3A_664 = tpu.memref_squeeze %dma_start3A_663 : memref<1x125x64xf32, #tpu.memory_space<vmem>> -> memref<125x64xf32, #tpu.memory_space<vmem>>
      %dma_start3A_665 = arith.constant 0 : i32
      %dma_start3A_666 = tpu.memref_slice %arg6[%add3A_658, %dma_start3A_665] : memref<160x125xi32, #tpu.memory_space<vmem>> -> memref<1x125xi32, #tpu.memory_space<vmem>>
      %dma_start3A_667 = tpu.memref_squeeze %dma_start3A_666 : memref<1x125xi32, #tpu.memory_space<vmem>> -> memref<125xi32, #tpu.memory_space<vmem>>
      %dma_start3A_668 = arith.constant 0 : i32
      %dma_start3A_669 = tpu.memref_slice %arg3[%arg0, %dma_start3A_668] : memref<20000x64xf32, #tpu.memory_space<hbm>> -> memref<19999x64xf32, #tpu.memory_space<hbm>>
      %dma_start3A_670 = arith.constant 0 : i32
      %dma_start3A_671 = arith.constant 0 : i32
      %dma_start3A_672 = tpu.memref_slice %dma_start3A_669[%dma_start3A_670, %dma_start3A_671] : memref<19999x64xf32, #tpu.memory_space<hbm>> -> memref<19999x64xf32, #tpu.memory_space<hbm>>
      %dma_start3A_673 = tpu.memref_slice %arg9[%dma_start3A_660] : memref<5x!tpu.dma_semaphore, #tpu.memory_space<semaphore_mem>> -> memref<1x!tpu.dma_semaphore, #tpu.memory_space<semaphore_mem>>
      %dma_start3A_674 = tpu.memref_squeeze %dma_start3A_673 : memref<1x!tpu.dma_semaphore, #tpu.memory_space<semaphore_mem>> -> memref<!tpu.dma_semaphore, #tpu.memory_space<semaphore_mem>>
      tpu.enqueue_indirect_dma source(%dma_start3A_672 : memref<19999x64xf32, #tpu.memory_space<hbm>>) target(%dma_start3A_664 : memref<125x64xf32, #tpu.memory_space<vmem>>) offsets(%dma_start3A_667 : memref<125xi32, #tpu.memory_space<vmem>>) semaphore(%dma_start3A_674 : memref<!tpu.dma_semaphore, #tpu.memory_space<semaphore_mem>>)
      %add3A_675 = arith.constant 4 : i32
      %add3A_676 = arith.addi %mul3A_360, %add3A_675 : i32
      %dma_wait3A_677 = arith.constant 4 : i32
      %dma_wait3A_678 = arith.constant 4 : i32
      %dma_wait3A_679 = arith.constant 0 : i32
      %dma_wait3A_680 = arith.constant 0 : i32
      %dma_wait3A_681 = tpu.memref_slice %arg7[%dma_wait3A_677, %dma_wait3A_679, %dma_wait3A_680] : memref<5x125x64xf32, #tpu.memory_space<vmem>> -> memref<1x125x64xf32, #tpu.memory_space<vmem>>
      %dma_wait3A_682 = tpu.memref_squeeze %dma_wait3A_681 : memref<1x125x64xf32, #tpu.memory_space<vmem>> -> memref<125x64xf32, #tpu.memory_space<vmem>>
      %dma_wait3A_683 = arith.constant 0 : i32
      %dma_wait3A_684 = tpu.memref_slice %arg5[%add3A_676, %dma_wait3A_683] : memref<160x125xi32, #tpu.memory_space<vmem>> -> memref<1x125xi32, #tpu.memory_space<vmem>>
      %dma_wait3A_685 = tpu.memref_squeeze %dma_wait3A_684 : memref<1x125xi32, #tpu.memory_space<vmem>> -> memref<125xi32, #tpu.memory_space<vmem>>
      %dma_wait3A_686 = arith.constant 0 : i32
      %dma_wait3A_687 = arith.constant 0 : i32
      %dma_wait3A_688 = tpu.memref_slice %arg8[%dma_wait3A_686, %dma_wait3A_687] : memref<10000x64xf32, #tpu.memory_space<vmem_shared>> -> memref<10000x64xf32, #tpu.memory_space<vmem_shared>>
      %dma_wait3A_689 = tpu.memref_slice %arg10[%dma_wait3A_678] : memref<5x!tpu.dma_semaphore, #tpu.memory_space<semaphore_mem>> -> memref<1x!tpu.dma_semaphore, #tpu.memory_space<semaphore_mem>>
      %dma_wait3A_690 = tpu.memref_squeeze %dma_wait3A_689 : memref<1x!tpu.dma_semaphore, #tpu.memory_space<semaphore_mem>> -> memref<!tpu.dma_semaphore, #tpu.memory_space<semaphore_mem>>
      tpu.wait_indirect_dma semaphore(%dma_wait3A_690 : memref<!tpu.dma_semaphore, #tpu.memory_space<semaphore_mem>>) src(%dma_wait3A_682 : memref<125x64xf32, #tpu.memory_space<vmem>>) dst(%dma_wait3A_688 : memref<10000x64xf32, #tpu.memory_space<vmem_shared>>)
      %add3A_691 = arith.constant 5 : i32
      %add3A_692 = arith.addi %mul3A_360, %add3A_691 : i32
      %add3A_693 = arith.constant 4 : i32
      %add3A_694 = arith.addi %add3A_692, %add3A_693 : i32
      %dma_start3A_695 = arith.constant 4 : i32
      %dma_start3A_696 = arith.constant 4 : i32
      %dma_start3A_697 = arith.constant 0 : i32
      %dma_start3A_698 = arith.constant 0 : i32
      %dma_start3A_699 = tpu.memref_slice %arg7[%dma_start3A_695, %dma_start3A_697, %dma_start3A_698] : memref<5x125x64xf32, #tpu.memory_space<vmem>> -> memref<1x125x64xf32, #tpu.memory_space<vmem>>
      %dma_start3A_700 = tpu.memref_squeeze %dma_start3A_699 : memref<1x125x64xf32, #tpu.memory_space<vmem>> -> memref<125x64xf32, #tpu.memory_space<vmem>>
      %dma_start3A_701 = arith.constant 0 : i32
      %dma_start3A_702 = tpu.memref_slice %arg6[%add3A_694, %dma_start3A_701] : memref<160x125xi32, #tpu.memory_space<vmem>> -> memref<1x125xi32, #tpu.memory_space<vmem>>
      %dma_start3A_703 = tpu.memref_squeeze %dma_start3A_702 : memref<1x125xi32, #tpu.memory_space<vmem>> -> memref<125xi32, #tpu.memory_space<vmem>>
      %dma_start3A_704 = arith.constant 0 : i32
      %dma_start3A_705 = tpu.memref_slice %arg3[%arg0, %dma_start3A_704] : memref<20000x64xf32, #tpu.memory_space<hbm>> -> memref<19999x64xf32, #tpu.memory_space<hbm>>
      %dma_start3A_706 = arith.constant 0 : i32
      %dma_start3A_707 = arith.constant 0 : i32
      %dma_start3A_708 = tpu.memref_slice %dma_start3A_705[%dma_start3A_706, %dma_start3A_707] : memref<19999x64xf32, #tpu.memory_space<hbm>> -> memref<19999x64xf32, #tpu.memory_space<hbm>>
      %dma_start3A_709 = tpu.memref_slice %arg9[%dma_start3A_696] : memref<5x!tpu.dma_semaphore, #tpu.memory_space<semaphore_mem>> -> memref<1x!tpu.dma_semaphore, #tpu.memory_space<semaphore_mem>>
      %dma_start3A_710 = tpu.memref_squeeze %dma_start3A_709 : memref<1x!tpu.dma_semaphore, #tpu.memory_space<semaphore_mem>> -> memref<!tpu.dma_semaphore, #tpu.memory_space<semaphore_mem>>
      tpu.enqueue_indirect_dma source(%dma_start3A_708 : memref<19999x64xf32, #tpu.memory_space<hbm>>) target(%dma_start3A_700 : memref<125x64xf32, #tpu.memory_space<vmem>>) offsets(%dma_start3A_703 : memref<125xi32, #tpu.memory_space<vmem>>) semaphore(%dma_start3A_710 : memref<!tpu.dma_semaphore, #tpu.memory_space<semaphore_mem>>)
    }
    %scan3A_113 = arith.constant 31 : i32
    %dma_wait3A = arith.constant 155 : i32
    %dma_wait3A_114 = arith.constant 0 : i32
    %dma_wait3A_115 = arith.constant 0 : i32
    %dma_wait3A_116 = arith.constant 0 : i32
    %dma_wait3A_117 = arith.constant 0 : i32
    %dma_wait3A_118 = tpu.memref_slice %arg7[%dma_wait3A_114, %dma_wait3A_116, %dma_wait3A_117] : memref<5x125x64xf32, #tpu.memory_space<vmem>> -> memref<1x125x64xf32, #tpu.memory_space<vmem>>
    %dma_wait3A_119 = tpu.memref_squeeze %dma_wait3A_118 : memref<1x125x64xf32, #tpu.memory_space<vmem>> -> memref<125x64xf32, #tpu.memory_space<vmem>>
    %dma_wait3A_120 = arith.constant 0 : i32
    %dma_wait3A_121 = tpu.memref_slice %arg6[%dma_wait3A, %dma_wait3A_120] : memref<160x125xi32, #tpu.memory_space<vmem>> -> memref<1x125xi32, #tpu.memory_space<vmem>>
    %dma_wait3A_122 = tpu.memref_squeeze %dma_wait3A_121 : memref<1x125xi32, #tpu.memory_space<vmem>> -> memref<125xi32, #tpu.memory_space<vmem>>
    %dma_wait3A_123 = arith.constant 0 : i32
    %dma_wait3A_124 = tpu.memref_slice %arg3[%arg0, %dma_wait3A_123] : memref<20000x64xf32, #tpu.memory_space<hbm>> -> memref<19999x64xf32, #tpu.memory_space<hbm>>
    %dma_wait3A_125 = arith.constant 0 : i32
    %dma_wait3A_126 = arith.constant 0 : i32
    %dma_wait3A_127 = tpu.memref_slice %dma_wait3A_124[%dma_wait3A_125, %dma_wait3A_126] : memref<19999x64xf32, #tpu.memory_space<hbm>> -> memref<19999x64xf32, #tpu.memory_space<hbm>>
    %dma_wait3A_128 = tpu.memref_slice %arg9[%dma_wait3A_115] : memref<5x!tpu.dma_semaphore, #tpu.memory_space<semaphore_mem>> -> memref<1x!tpu.dma_semaphore, #tpu.memory_space<semaphore_mem>>
    %dma_wait3A_129 = tpu.memref_squeeze %dma_wait3A_128 : memref<1x!tpu.dma_semaphore, #tpu.memory_space<semaphore_mem>> -> memref<!tpu.dma_semaphore, #tpu.memory_space<semaphore_mem>>
    tpu.wait_indirect_dma semaphore(%dma_wait3A_129 : memref<!tpu.dma_semaphore, #tpu.memory_space<semaphore_mem>>) src(%dma_wait3A_127 : memref<19999x64xf32, #tpu.memory_space<hbm>>) dst(%dma_wait3A_119 : memref<125x64xf32, #tpu.memory_space<vmem>>)
    %dma_start3A_130 = arith.constant 0 : i32
    %dma_start3A_131 = arith.constant 155 : i32
    %dma_start3A_132 = arith.constant 0 : i32
    %dma_start3A_133 = arith.constant 0 : i32
    %dma_start3A_134 = arith.constant 0 : i32
    %dma_start3A_135 = tpu.memref_slice %arg7[%dma_start3A_130, %dma_start3A_133, %dma_start3A_134] : memref<5x125x64xf32, #tpu.memory_space<vmem>> -> memref<1x125x64xf32, #tpu.memory_space<vmem>>
    %dma_start3A_136 = tpu.memref_squeeze %dma_start3A_135 : memref<1x125x64xf32, #tpu.memory_space<vmem>> -> memref<125x64xf32, #tpu.memory_space<vmem>>
    %dma_start3A_137 = arith.constant 0 : i32
    %dma_start3A_138 = tpu.memref_slice %arg5[%dma_start3A_131, %dma_start3A_137] : memref<160x125xi32, #tpu.memory_space<vmem>> -> memref<1x125xi32, #tpu.memory_space<vmem>>
    %dma_start3A_139 = tpu.memref_squeeze %dma_start3A_138 : memref<1x125xi32, #tpu.memory_space<vmem>> -> memref<125xi32, #tpu.memory_space<vmem>>
    %dma_start3A_140 = arith.constant 0 : i32
    %dma_start3A_141 = arith.constant 0 : i32
    %dma_start3A_142 = tpu.memref_slice %arg8[%dma_start3A_140, %dma_start3A_141] : memref<10000x64xf32, #tpu.memory_space<vmem_shared>> -> memref<10000x64xf32, #tpu.memory_space<vmem_shared>>
    %dma_start3A_143 = tpu.memref_slice %arg10[%dma_start3A_132] : memref<5x!tpu.dma_semaphore, #tpu.memory_space<semaphore_mem>> -> memref<1x!tpu.dma_semaphore, #tpu.memory_space<semaphore_mem>>
    %dma_start3A_144 = tpu.memref_squeeze %dma_start3A_143 : memref<1x!tpu.dma_semaphore, #tpu.memory_space<semaphore_mem>> -> memref<!tpu.dma_semaphore, #tpu.memory_space<semaphore_mem>>
    tpu.enqueue_indirect_dma source(%dma_start3A_136 : memref<125x64xf32, #tpu.memory_space<vmem>>) target(%dma_start3A_142 : memref<10000x64xf32, #tpu.memory_space<vmem_shared>>) offsets(%dma_start3A_139 : memref<125xi32, #tpu.memory_space<vmem>>) semaphore(%dma_start3A_144 : memref<!tpu.dma_semaphore, #tpu.memory_space<semaphore_mem>>) {add = true}
    %dma_wait3A_145 = arith.constant 156 : i32
    %dma_wait3A_146 = arith.constant 1 : i32
    %dma_wait3A_147 = arith.constant 1 : i32
    %dma_wait3A_148 = arith.constant 0 : i32
    %dma_wait3A_149 = arith.constant 0 : i32
    %dma_wait3A_150 = tpu.memref_slice %arg7[%dma_wait3A_146, %dma_wait3A_148, %dma_wait3A_149] : memref<5x125x64xf32, #tpu.memory_space<vmem>> -> memref<1x125x64xf32, #tpu.memory_space<vmem>>
    %dma_wait3A_151 = tpu.memref_squeeze %dma_wait3A_150 : memref<1x125x64xf32, #tpu.memory_space<vmem>> -> memref<125x64xf32, #tpu.memory_space<vmem>>
    %dma_wait3A_152 = arith.constant 0 : i32
    %dma_wait3A_153 = tpu.memref_slice %arg6[%dma_wait3A_145, %dma_wait3A_152] : memref<160x125xi32, #tpu.memory_space<vmem>> -> memref<1x125xi32, #tpu.memory_space<vmem>>
    %dma_wait3A_154 = tpu.memref_squeeze %dma_wait3A_153 : memref<1x125xi32, #tpu.memory_space<vmem>> -> memref<125xi32, #tpu.memory_space<vmem>>
    %dma_wait3A_155 = arith.constant 0 : i32
    %dma_wait3A_156 = tpu.memref_slice %arg3[%arg0, %dma_wait3A_155] : memref<20000x64xf32, #tpu.memory_space<hbm>> -> memref<19999x64xf32, #tpu.memory_space<hbm>>
    %dma_wait3A_157 = arith.constant 0 : i32
    %dma_wait3A_158 = arith.constant 0 : i32
    %dma_wait3A_159 = tpu.memref_slice %dma_wait3A_156[%dma_wait3A_157, %dma_wait3A_158] : memref<19999x64xf32, #tpu.memory_space<hbm>> -> memref<19999x64xf32, #tpu.memory_space<hbm>>
    %dma_wait3A_160 = tpu.memref_slice %arg9[%dma_wait3A_147] : memref<5x!tpu.dma_semaphore, #tpu.memory_space<semaphore_mem>> -> memref<1x!tpu.dma_semaphore, #tpu.memory_space<semaphore_mem>>
    %dma_wait3A_161 = tpu.memref_squeeze %dma_wait3A_160 : memref<1x!tpu.dma_semaphore, #tpu.memory_space<semaphore_mem>> -> memref<!tpu.dma_semaphore, #tpu.memory_space<semaphore_mem>>
    tpu.wait_indirect_dma semaphore(%dma_wait3A_161 : memref<!tpu.dma_semaphore, #tpu.memory_space<semaphore_mem>>) src(%dma_wait3A_159 : memref<19999x64xf32, #tpu.memory_space<hbm>>) dst(%dma_wait3A_151 : memref<125x64xf32, #tpu.memory_space<vmem>>)
    %dma_start3A_162 = arith.constant 1 : i32
    %dma_start3A_163 = arith.constant 156 : i32
    %dma_start3A_164 = arith.constant 1 : i32
    %dma_start3A_165 = arith.constant 0 : i32
    %dma_start3A_166 = arith.constant 0 : i32
    %dma_start3A_167 = tpu.memref_slice %arg7[%dma_start3A_162, %dma_start3A_165, %dma_start3A_166] : memref<5x125x64xf32, #tpu.memory_space<vmem>> -> memref<1x125x64xf32, #tpu.memory_space<vmem>>
    %dma_start3A_168 = tpu.memref_squeeze %dma_start3A_167 : memref<1x125x64xf32, #tpu.memory_space<vmem>> -> memref<125x64xf32, #tpu.memory_space<vmem>>
    %dma_start3A_169 = arith.constant 0 : i32
    %dma_start3A_170 = tpu.memref_slice %arg5[%dma_start3A_163, %dma_start3A_169] : memref<160x125xi32, #tpu.memory_space<vmem>> -> memref<1x125xi32, #tpu.memory_space<vmem>>
    %dma_start3A_171 = tpu.memref_squeeze %dma_start3A_170 : memref<1x125xi32, #tpu.memory_space<vmem>> -> memref<125xi32, #tpu.memory_space<vmem>>
    %dma_start3A_172 = arith.constant 0 : i32
    %dma_start3A_173 = arith.constant 0 : i32
    %dma_start3A_174 = tpu.memref_slice %arg8[%dma_start3A_172, %dma_start3A_173] : memref<10000x64xf32, #tpu.memory_space<vmem_shared>> -> memref<10000x64xf32, #tpu.memory_space<vmem_shared>>
    %dma_start3A_175 = tpu.memref_slice %arg10[%dma_start3A_164] : memref<5x!tpu.dma_semaphore, #tpu.memory_space<semaphore_mem>> -> memref<1x!tpu.dma_semaphore, #tpu.memory_space<semaphore_mem>>
    %dma_start3A_176 = tpu.memref_squeeze %dma_start3A_175 : memref<1x!tpu.dma_semaphore, #tpu.memory_space<semaphore_mem>> -> memref<!tpu.dma_semaphore, #tpu.memory_space<semaphore_mem>>
    tpu.enqueue_indirect_dma source(%dma_start3A_168 : memref<125x64xf32, #tpu.memory_space<vmem>>) target(%dma_start3A_174 : memref<10000x64xf32, #tpu.memory_space<vmem_shared>>) offsets(%dma_start3A_171 : memref<125xi32, #tpu.memory_space<vmem>>) semaphore(%dma_start3A_176 : memref<!tpu.dma_semaphore, #tpu.memory_space<semaphore_mem>>) {add = true}
    %dma_wait3A_177 = arith.constant 157 : i32
    %dma_wait3A_178 = arith.constant 2 : i32
    %dma_wait3A_179 = arith.constant 2 : i32
    %dma_wait3A_180 = arith.constant 0 : i32
    %dma_wait3A_181 = arith.constant 0 : i32
    %dma_wait3A_182 = tpu.memref_slice %arg7[%dma_wait3A_178, %dma_wait3A_180, %dma_wait3A_181] : memref<5x125x64xf32, #tpu.memory_space<vmem>> -> memref<1x125x64xf32, #tpu.memory_space<vmem>>
    %dma_wait3A_183 = tpu.memref_squeeze %dma_wait3A_182 : memref<1x125x64xf32, #tpu.memory_space<vmem>> -> memref<125x64xf32, #tpu.memory_space<vmem>>
    %dma_wait3A_184 = arith.constant 0 : i32
    %dma_wait3A_185 = tpu.memref_slice %arg6[%dma_wait3A_177, %dma_wait3A_184] : memref<160x125xi32, #tpu.memory_space<vmem>> -> memref<1x125xi32, #tpu.memory_space<vmem>>
    %dma_wait3A_186 = tpu.memref_squeeze %dma_wait3A_185 : memref<1x125xi32, #tpu.memory_space<vmem>> -> memref<125xi32, #tpu.memory_space<vmem>>
    %dma_wait3A_187 = arith.constant 0 : i32
    %dma_wait3A_188 = tpu.memref_slice %arg3[%arg0, %dma_wait3A_187] : memref<20000x64xf32, #tpu.memory_space<hbm>> -> memref<19999x64xf32, #tpu.memory_space<hbm>>
    %dma_wait3A_189 = arith.constant 0 : i32
    %dma_wait3A_190 = arith.constant 0 : i32
    %dma_wait3A_191 = tpu.memref_slice %dma_wait3A_188[%dma_wait3A_189, %dma_wait3A_190] : memref<19999x64xf32, #tpu.memory_space<hbm>> -> memref<19999x64xf32, #tpu.memory_space<hbm>>
    %dma_wait3A_192 = tpu.memref_slice %arg9[%dma_wait3A_179] : memref<5x!tpu.dma_semaphore, #tpu.memory_space<semaphore_mem>> -> memref<1x!tpu.dma_semaphore, #tpu.memory_space<semaphore_mem>>
    %dma_wait3A_193 = tpu.memref_squeeze %dma_wait3A_192 : memref<1x!tpu.dma_semaphore, #tpu.memory_space<semaphore_mem>> -> memref<!tpu.dma_semaphore, #tpu.memory_space<semaphore_mem>>
    tpu.wait_indirect_dma semaphore(%dma_wait3A_193 : memref<!tpu.dma_semaphore, #tpu.memory_space<semaphore_mem>>) src(%dma_wait3A_191 : memref<19999x64xf32, #tpu.memory_space<hbm>>) dst(%dma_wait3A_183 : memref<125x64xf32, #tpu.memory_space<vmem>>)
    %dma_start3A_194 = arith.constant 2 : i32
    %dma_start3A_195 = arith.constant 157 : i32
    %dma_start3A_196 = arith.constant 2 : i32
    %dma_start3A_197 = arith.constant 0 : i32
    %dma_start3A_198 = arith.constant 0 : i32
    %dma_start3A_199 = tpu.memref_slice %arg7[%dma_start3A_194, %dma_start3A_197, %dma_start3A_198] : memref<5x125x64xf32, #tpu.memory_space<vmem>> -> memref<1x125x64xf32, #tpu.memory_space<vmem>>
    %dma_start3A_200 = tpu.memref_squeeze %dma_start3A_199 : memref<1x125x64xf32, #tpu.memory_space<vmem>> -> memref<125x64xf32, #tpu.memory_space<vmem>>
    %dma_start3A_201 = arith.constant 0 : i32
    %dma_start3A_202 = tpu.memref_slice %arg5[%dma_start3A_195, %dma_start3A_201] : memref<160x125xi32, #tpu.memory_space<vmem>> -> memref<1x125xi32, #tpu.memory_space<vmem>>
    %dma_start3A_203 = tpu.memref_squeeze %dma_start3A_202 : memref<1x125xi32, #tpu.memory_space<vmem>> -> memref<125xi32, #tpu.memory_space<vmem>>
    %dma_start3A_204 = arith.constant 0 : i32
    %dma_start3A_205 = arith.constant 0 : i32
    %dma_start3A_206 = tpu.memref_slice %arg8[%dma_start3A_204, %dma_start3A_205] : memref<10000x64xf32, #tpu.memory_space<vmem_shared>> -> memref<10000x64xf32, #tpu.memory_space<vmem_shared>>
    %dma_start3A_207 = tpu.memref_slice %arg10[%dma_start3A_196] : memref<5x!tpu.dma_semaphore, #tpu.memory_space<semaphore_mem>> -> memref<1x!tpu.dma_semaphore, #tpu.memory_space<semaphore_mem>>
    %dma_start3A_208 = tpu.memref_squeeze %dma_start3A_207 : memref<1x!tpu.dma_semaphore, #tpu.memory_space<semaphore_mem>> -> memref<!tpu.dma_semaphore, #tpu.memory_space<semaphore_mem>>
    tpu.enqueue_indirect_dma source(%dma_start3A_200 : memref<125x64xf32, #tpu.memory_space<vmem>>) target(%dma_start3A_206 : memref<10000x64xf32, #tpu.memory_space<vmem_shared>>) offsets(%dma_start3A_203 : memref<125xi32, #tpu.memory_space<vmem>>) semaphore(%dma_start3A_208 : memref<!tpu.dma_semaphore, #tpu.memory_space<semaphore_mem>>) {add = true}
    %dma_wait3A_209 = arith.constant 158 : i32
    %dma_wait3A_210 = arith.constant 3 : i32
    %dma_wait3A_211 = arith.constant 3 : i32
    %dma_wait3A_212 = arith.constant 0 : i32
    %dma_wait3A_213 = arith.constant 0 : i32
    %dma_wait3A_214 = tpu.memref_slice %arg7[%dma_wait3A_210, %dma_wait3A_212, %dma_wait3A_213] : memref<5x125x64xf32, #tpu.memory_space<vmem>> -> memref<1x125x64xf32, #tpu.memory_space<vmem>>
    %dma_wait3A_215 = tpu.memref_squeeze %dma_wait3A_214 : memref<1x125x64xf32, #tpu.memory_space<vmem>> -> memref<125x64xf32, #tpu.memory_space<vmem>>
    %dma_wait3A_216 = arith.constant 0 : i32
    %dma_wait3A_217 = tpu.memref_slice %arg6[%dma_wait3A_209, %dma_wait3A_216] : memref<160x125xi32, #tpu.memory_space<vmem>> -> memref<1x125xi32, #tpu.memory_space<vmem>>
    %dma_wait3A_218 = tpu.memref_squeeze %dma_wait3A_217 : memref<1x125xi32, #tpu.memory_space<vmem>> -> memref<125xi32, #tpu.memory_space<vmem>>
    %dma_wait3A_219 = arith.constant 0 : i32
    %dma_wait3A_220 = tpu.memref_slice %arg3[%arg0, %dma_wait3A_219] : memref<20000x64xf32, #tpu.memory_space<hbm>> -> memref<19999x64xf32, #tpu.memory_space<hbm>>
    %dma_wait3A_221 = arith.constant 0 : i32
    %dma_wait3A_222 = arith.constant 0 : i32
    %dma_wait3A_223 = tpu.memref_slice %dma_wait3A_220[%dma_wait3A_221, %dma_wait3A_222] : memref<19999x64xf32, #tpu.memory_space<hbm>> -> memref<19999x64xf32, #tpu.memory_space<hbm>>
    %dma_wait3A_224 = tpu.memref_slice %arg9[%dma_wait3A_211] : memref<5x!tpu.dma_semaphore, #tpu.memory_space<semaphore_mem>> -> memref<1x!tpu.dma_semaphore, #tpu.memory_space<semaphore_mem>>
    %dma_wait3A_225 = tpu.memref_squeeze %dma_wait3A_224 : memref<1x!tpu.dma_semaphore, #tpu.memory_space<semaphore_mem>> -> memref<!tpu.dma_semaphore, #tpu.memory_space<semaphore_mem>>
    tpu.wait_indirect_dma semaphore(%dma_wait3A_225 : memref<!tpu.dma_semaphore, #tpu.memory_space<semaphore_mem>>) src(%dma_wait3A_223 : memref<19999x64xf32, #tpu.memory_space<hbm>>) dst(%dma_wait3A_215 : memref<125x64xf32, #tpu.memory_space<vmem>>)
    %dma_start3A_226 = arith.constant 3 : i32
    %dma_start3A_227 = arith.constant 158 : i32
    %dma_start3A_228 = arith.constant 3 : i32
    %dma_start3A_229 = arith.constant 0 : i32
    %dma_start3A_230 = arith.constant 0 : i32
    %dma_start3A_231 = tpu.memref_slice %arg7[%dma_start3A_226, %dma_start3A_229, %dma_start3A_230] : memref<5x125x64xf32, #tpu.memory_space<vmem>> -> memref<1x125x64xf32, #tpu.memory_space<vmem>>
    %dma_start3A_232 = tpu.memref_squeeze %dma_start3A_231 : memref<1x125x64xf32, #tpu.memory_space<vmem>> -> memref<125x64xf32, #tpu.memory_space<vmem>>
    %dma_start3A_233 = arith.constant 0 : i32
    %dma_start3A_234 = tpu.memref_slice %arg5[%dma_start3A_227, %dma_start3A_233] : memref<160x125xi32, #tpu.memory_space<vmem>> -> memref<1x125xi32, #tpu.memory_space<vmem>>
    %dma_start3A_235 = tpu.memref_squeeze %dma_start3A_234 : memref<1x125xi32, #tpu.memory_space<vmem>> -> memref<125xi32, #tpu.memory_space<vmem>>
    %dma_start3A_236 = arith.constant 0 : i32
    %dma_start3A_237 = arith.constant 0 : i32
    %dma_start3A_238 = tpu.memref_slice %arg8[%dma_start3A_236, %dma_start3A_237] : memref<10000x64xf32, #tpu.memory_space<vmem_shared>> -> memref<10000x64xf32, #tpu.memory_space<vmem_shared>>
    %dma_start3A_239 = tpu.memref_slice %arg10[%dma_start3A_228] : memref<5x!tpu.dma_semaphore, #tpu.memory_space<semaphore_mem>> -> memref<1x!tpu.dma_semaphore, #tpu.memory_space<semaphore_mem>>
    %dma_start3A_240 = tpu.memref_squeeze %dma_start3A_239 : memref<1x!tpu.dma_semaphore, #tpu.memory_space<semaphore_mem>> -> memref<!tpu.dma_semaphore, #tpu.memory_space<semaphore_mem>>
    tpu.enqueue_indirect_dma source(%dma_start3A_232 : memref<125x64xf32, #tpu.memory_space<vmem>>) target(%dma_start3A_238 : memref<10000x64xf32, #tpu.memory_space<vmem_shared>>) offsets(%dma_start3A_235 : memref<125xi32, #tpu.memory_space<vmem>>) semaphore(%dma_start3A_240 : memref<!tpu.dma_semaphore, #tpu.memory_space<semaphore_mem>>) {add = true}
    %dma_wait3A_241 = arith.constant 159 : i32
    %dma_wait3A_242 = arith.constant 4 : i32
    %dma_wait3A_243 = arith.constant 4 : i32
    %dma_wait3A_244 = arith.constant 0 : i32
    %dma_wait3A_245 = arith.constant 0 : i32
    %dma_wait3A_246 = tpu.memref_slice %arg7[%dma_wait3A_242, %dma_wait3A_244, %dma_wait3A_245] : memref<5x125x64xf32, #tpu.memory_space<vmem>> -> memref<1x125x64xf32, #tpu.memory_space<vmem>>
    %dma_wait3A_247 = tpu.memref_squeeze %dma_wait3A_246 : memref<1x125x64xf32, #tpu.memory_space<vmem>> -> memref<125x64xf32, #tpu.memory_space<vmem>>
    %dma_wait3A_248 = arith.constant 0 : i32
    %dma_wait3A_249 = tpu.memref_slice %arg6[%dma_wait3A_241, %dma_wait3A_248] : memref<160x125xi32, #tpu.memory_space<vmem>> -> memref<1x125xi32, #tpu.memory_space<vmem>>
    %dma_wait3A_250 = tpu.memref_squeeze %dma_wait3A_249 : memref<1x125xi32, #tpu.memory_space<vmem>> -> memref<125xi32, #tpu.memory_space<vmem>>
    %dma_wait3A_251 = arith.constant 0 : i32
    %dma_wait3A_252 = tpu.memref_slice %arg3[%arg0, %dma_wait3A_251] : memref<20000x64xf32, #tpu.memory_space<hbm>> -> memref<19999x64xf32, #tpu.memory_space<hbm>>
    %dma_wait3A_253 = arith.constant 0 : i32
    %dma_wait3A_254 = arith.constant 0 : i32
    %dma_wait3A_255 = tpu.memref_slice %dma_wait3A_252[%dma_wait3A_253, %dma_wait3A_254] : memref<19999x64xf32, #tpu.memory_space<hbm>> -> memref<19999x64xf32, #tpu.memory_space<hbm>>
    %dma_wait3A_256 = tpu.memref_slice %arg9[%dma_wait3A_243] : memref<5x!tpu.dma_semaphore, #tpu.memory_space<semaphore_mem>> -> memref<1x!tpu.dma_semaphore, #tpu.memory_space<semaphore_mem>>
    %dma_wait3A_257 = tpu.memref_squeeze %dma_wait3A_256 : memref<1x!tpu.dma_semaphore, #tpu.memory_space<semaphore_mem>> -> memref<!tpu.dma_semaphore, #tpu.memory_space<semaphore_mem>>
    tpu.wait_indirect_dma semaphore(%dma_wait3A_257 : memref<!tpu.dma_semaphore, #tpu.memory_space<semaphore_mem>>) src(%dma_wait3A_255 : memref<19999x64xf32, #tpu.memory_space<hbm>>) dst(%dma_wait3A_247 : memref<125x64xf32, #tpu.memory_space<vmem>>)
    %dma_start3A_258 = arith.constant 4 : i32
    %dma_start3A_259 = arith.constant 159 : i32
    %dma_start3A_260 = arith.constant 4 : i32
    %dma_start3A_261 = arith.constant 0 : i32
    %dma_start3A_262 = arith.constant 0 : i32
    %dma_start3A_263 = tpu.memref_slice %arg7[%dma_start3A_258, %dma_start3A_261, %dma_start3A_262] : memref<5x125x64xf32, #tpu.memory_space<vmem>> -> memref<1x125x64xf32, #tpu.memory_space<vmem>>
    %dma_start3A_264 = tpu.memref_squeeze %dma_start3A_263 : memref<1x125x64xf32, #tpu.memory_space<vmem>> -> memref<125x64xf32, #tpu.memory_space<vmem>>
    %dma_start3A_265 = arith.constant 0 : i32
    %dma_start3A_266 = tpu.memref_slice %arg5[%dma_start3A_259, %dma_start3A_265] : memref<160x125xi32, #tpu.memory_space<vmem>> -> memref<1x125xi32, #tpu.memory_space<vmem>>
    %dma_start3A_267 = tpu.memref_squeeze %dma_start3A_266 : memref<1x125xi32, #tpu.memory_space<vmem>> -> memref<125xi32, #tpu.memory_space<vmem>>
    %dma_start3A_268 = arith.constant 0 : i32
    %dma_start3A_269 = arith.constant 0 : i32
    %dma_start3A_270 = tpu.memref_slice %arg8[%dma_start3A_268, %dma_start3A_269] : memref<10000x64xf32, #tpu.memory_space<vmem_shared>> -> memref<10000x64xf32, #tpu.memory_space<vmem_shared>>
    %dma_start3A_271 = tpu.memref_slice %arg10[%dma_start3A_260] : memref<5x!tpu.dma_semaphore, #tpu.memory_space<semaphore_mem>> -> memref<1x!tpu.dma_semaphore, #tpu.memory_space<semaphore_mem>>
    %dma_start3A_272 = tpu.memref_squeeze %dma_start3A_271 : memref<1x!tpu.dma_semaphore, #tpu.memory_space<semaphore_mem>> -> memref<!tpu.dma_semaphore, #tpu.memory_space<semaphore_mem>>
    tpu.enqueue_indirect_dma source(%dma_start3A_264 : memref<125x64xf32, #tpu.memory_space<vmem>>) target(%dma_start3A_270 : memref<10000x64xf32, #tpu.memory_space<vmem_shared>>) offsets(%dma_start3A_267 : memref<125xi32, #tpu.memory_space<vmem>>) semaphore(%dma_start3A_272 : memref<!tpu.dma_semaphore, #tpu.memory_space<semaphore_mem>>) {add = true}
    %dma_wait3A_273 = arith.constant 0 : i32
    %dma_wait3A_274 = arith.constant 155 : i32
    %dma_wait3A_275 = arith.constant 0 : i32
    %dma_wait3A_276 = arith.constant 0 : i32
    %dma_wait3A_277 = arith.constant 0 : i32
    %dma_wait3A_278 = tpu.memref_slice %arg7[%dma_wait3A_273, %dma_wait3A_276, %dma_wait3A_277] : memref<5x125x64xf32, #tpu.memory_space<vmem>> -> memref<1x125x64xf32, #tpu.memory_space<vmem>>
    %dma_wait3A_279 = tpu.memref_squeeze %dma_wait3A_278 : memref<1x125x64xf32, #tpu.memory_space<vmem>> -> memref<125x64xf32, #tpu.memory_space<vmem>>
    %dma_wait3A_280 = arith.constant 0 : i32
    %dma_wait3A_281 = tpu.memref_slice %arg5[%dma_wait3A_274, %dma_wait3A_280] : memref<160x125xi32, #tpu.memory_space<vmem>> -> memref<1x125xi32, #tpu.memory_space<vmem>>
    %dma_wait3A_282 = tpu.memref_squeeze %dma_wait3A_281 : memref<1x125xi32, #tpu.memory_space<vmem>> -> memref<125xi32, #tpu.memory_space<vmem>>
    %dma_wait3A_283 = arith.constant 0 : i32
    %dma_wait3A_284 = arith.constant 0 : i32
    %dma_wait3A_285 = tpu.memref_slice %arg8[%dma_wait3A_283, %dma_wait3A_284] : memref<10000x64xf32, #tpu.memory_space<vmem_shared>> -> memref<10000x64xf32, #tpu.memory_space<vmem_shared>>
    %dma_wait3A_286 = tpu.memref_slice %arg10[%dma_wait3A_275] : memref<5x!tpu.dma_semaphore, #tpu.memory_space<semaphore_mem>> -> memref<1x!tpu.dma_semaphore, #tpu.memory_space<semaphore_mem>>
    %dma_wait3A_287 = tpu.memref_squeeze %dma_wait3A_286 : memref<1x!tpu.dma_semaphore, #tpu.memory_space<semaphore_mem>> -> memref<!tpu.dma_semaphore, #tpu.memory_space<semaphore_mem>>
    tpu.wait_indirect_dma semaphore(%dma_wait3A_287 : memref<!tpu.dma_semaphore, #tpu.memory_space<semaphore_mem>>) src(%dma_wait3A_279 : memref<125x64xf32, #tpu.memory_space<vmem>>) dst(%dma_wait3A_285 : memref<10000x64xf32, #tpu.memory_space<vmem_shared>>)
    %dma_wait3A_288 = arith.constant 1 : i32
    %dma_wait3A_289 = arith.constant 156 : i32
    %dma_wait3A_290 = arith.constant 1 : i32
    %dma_wait3A_291 = arith.constant 0 : i32
    %dma_wait3A_292 = arith.constant 0 : i32
    %dma_wait3A_293 = tpu.memref_slice %arg7[%dma_wait3A_288, %dma_wait3A_291, %dma_wait3A_292] : memref<5x125x64xf32, #tpu.memory_space<vmem>> -> memref<1x125x64xf32, #tpu.memory_space<vmem>>
    %dma_wait3A_294 = tpu.memref_squeeze %dma_wait3A_293 : memref<1x125x64xf32, #tpu.memory_space<vmem>> -> memref<125x64xf32, #tpu.memory_space<vmem>>
    %dma_wait3A_295 = arith.constant 0 : i32
    %dma_wait3A_296 = tpu.memref_slice %arg5[%dma_wait3A_289, %dma_wait3A_295] : memref<160x125xi32, #tpu.memory_space<vmem>> -> memref<1x125xi32, #tpu.memory_space<vmem>>
    %dma_wait3A_297 = tpu.memref_squeeze %dma_wait3A_296 : memref<1x125xi32, #tpu.memory_space<vmem>> -> memref<125xi32, #tpu.memory_space<vmem>>
    %dma_wait3A_298 = arith.constant 0 : i32
    %dma_wait3A_299 = arith.constant 0 : i32
    %dma_wait3A_300 = tpu.memref_slice %arg8[%dma_wait3A_298, %dma_wait3A_299] : memref<10000x64xf32, #tpu.memory_space<vmem_shared>> -> memref<10000x64xf32, #tpu.memory_space<vmem_shared>>
    %dma_wait3A_301 = tpu.memref_slice %arg10[%dma_wait3A_290] : memref<5x!tpu.dma_semaphore, #tpu.memory_space<semaphore_mem>> -> memref<1x!tpu.dma_semaphore, #tpu.memory_space<semaphore_mem>>
    %dma_wait3A_302 = tpu.memref_squeeze %dma_wait3A_301 : memref<1x!tpu.dma_semaphore, #tpu.memory_space<semaphore_mem>> -> memref<!tpu.dma_semaphore, #tpu.memory_space<semaphore_mem>>
    tpu.wait_indirect_dma semaphore(%dma_wait3A_302 : memref<!tpu.dma_semaphore, #tpu.memory_space<semaphore_mem>>) src(%dma_wait3A_294 : memref<125x64xf32, #tpu.memory_space<vmem>>) dst(%dma_wait3A_300 : memref<10000x64xf32, #tpu.memory_space<vmem_shared>>)
    %dma_wait3A_303 = arith.constant 2 : i32
    %dma_wait3A_304 = arith.constant 157 : i32
    %dma_wait3A_305 = arith.constant 2 : i32
    %dma_wait3A_306 = arith.constant 0 : i32
    %dma_wait3A_307 = arith.constant 0 : i32
    %dma_wait3A_308 = tpu.memref_slice %arg7[%dma_wait3A_303, %dma_wait3A_306, %dma_wait3A_307] : memref<5x125x64xf32, #tpu.memory_space<vmem>> -> memref<1x125x64xf32, #tpu.memory_space<vmem>>
    %dma_wait3A_309 = tpu.memref_squeeze %dma_wait3A_308 : memref<1x125x64xf32, #tpu.memory_space<vmem>> -> memref<125x64xf32, #tpu.memory_space<vmem>>
    %dma_wait3A_310 = arith.constant 0 : i32
    %dma_wait3A_311 = tpu.memref_slice %arg5[%dma_wait3A_304, %dma_wait3A_310] : memref<160x125xi32, #tpu.memory_space<vmem>> -> memref<1x125xi32, #tpu.memory_space<vmem>>
    %dma_wait3A_312 = tpu.memref_squeeze %dma_wait3A_311 : memref<1x125xi32, #tpu.memory_space<vmem>> -> memref<125xi32, #tpu.memory_space<vmem>>
    %dma_wait3A_313 = arith.constant 0 : i32
    %dma_wait3A_314 = arith.constant 0 : i32
    %dma_wait3A_315 = tpu.memref_slice %arg8[%dma_wait3A_313, %dma_wait3A_314] : memref<10000x64xf32, #tpu.memory_space<vmem_shared>> -> memref<10000x64xf32, #tpu.memory_space<vmem_shared>>
    %dma_wait3A_316 = tpu.memref_slice %arg10[%dma_wait3A_305] : memref<5x!tpu.dma_semaphore, #tpu.memory_space<semaphore_mem>> -> memref<1x!tpu.dma_semaphore, #tpu.memory_space<semaphore_mem>>
    %dma_wait3A_317 = tpu.memref_squeeze %dma_wait3A_316 : memref<1x!tpu.dma_semaphore, #tpu.memory_space<semaphore_mem>> -> memref<!tpu.dma_semaphore, #tpu.memory_space<semaphore_mem>>
    tpu.wait_indirect_dma semaphore(%dma_wait3A_317 : memref<!tpu.dma_semaphore, #tpu.memory_space<semaphore_mem>>) src(%dma_wait3A_309 : memref<125x64xf32, #tpu.memory_space<vmem>>) dst(%dma_wait3A_315 : memref<10000x64xf32, #tpu.memory_space<vmem_shared>>)
    %dma_wait3A_318 = arith.constant 3 : i32
    %dma_wait3A_319 = arith.constant 158 : i32
    %dma_wait3A_320 = arith.constant 3 : i32
    %dma_wait3A_321 = arith.constant 0 : i32
    %dma_wait3A_322 = arith.constant 0 : i32
    %dma_wait3A_323 = tpu.memref_slice %arg7[%dma_wait3A_318, %dma_wait3A_321, %dma_wait3A_322] : memref<5x125x64xf32, #tpu.memory_space<vmem>> -> memref<1x125x64xf32, #tpu.memory_space<vmem>>
    %dma_wait3A_324 = tpu.memref_squeeze %dma_wait3A_323 : memref<1x125x64xf32, #tpu.memory_space<vmem>> -> memref<125x64xf32, #tpu.memory_space<vmem>>
    %dma_wait3A_325 = arith.constant 0 : i32
    %dma_wait3A_326 = tpu.memref_slice %arg5[%dma_wait3A_319, %dma_wait3A_325] : memref<160x125xi32, #tpu.memory_space<vmem>> -> memref<1x125xi32, #tpu.memory_space<vmem>>
    %dma_wait3A_327 = tpu.memref_squeeze %dma_wait3A_326 : memref<1x125xi32, #tpu.memory_space<vmem>> -> memref<125xi32, #tpu.memory_space<vmem>>
    %dma_wait3A_328 = arith.constant 0 : i32
    %dma_wait3A_329 = arith.constant 0 : i32
    %dma_wait3A_330 = tpu.memref_slice %arg8[%dma_wait3A_328, %dma_wait3A_329] : memref<10000x64xf32, #tpu.memory_space<vmem_shared>> -> memref<10000x64xf32, #tpu.memory_space<vmem_shared>>
    %dma_wait3A_331 = tpu.memref_slice %arg10[%dma_wait3A_320] : memref<5x!tpu.dma_semaphore, #tpu.memory_space<semaphore_mem>> -> memref<1x!tpu.dma_semaphore, #tpu.memory_space<semaphore_mem>>
    %dma_wait3A_332 = tpu.memref_squeeze %dma_wait3A_331 : memref<1x!tpu.dma_semaphore, #tpu.memory_space<semaphore_mem>> -> memref<!tpu.dma_semaphore, #tpu.memory_space<semaphore_mem>>
    tpu.wait_indirect_dma semaphore(%dma_wait3A_332 : memref<!tpu.dma_semaphore, #tpu.memory_space<semaphore_mem>>) src(%dma_wait3A_324 : memref<125x64xf32, #tpu.memory_space<vmem>>) dst(%dma_wait3A_330 : memref<10000x64xf32, #tpu.memory_space<vmem_shared>>)
    %dma_wait3A_333 = arith.constant 4 : i32
    %dma_wait3A_334 = arith.constant 159 : i32
    %dma_wait3A_335 = arith.constant 4 : i32
    %dma_wait3A_336 = arith.constant 0 : i32
    %dma_wait3A_337 = arith.constant 0 : i32
    %dma_wait3A_338 = tpu.memref_slice %arg7[%dma_wait3A_333, %dma_wait3A_336, %dma_wait3A_337] : memref<5x125x64xf32, #tpu.memory_space<vmem>> -> memref<1x125x64xf32, #tpu.memory_space<vmem>>
    %dma_wait3A_339 = tpu.memref_squeeze %dma_wait3A_338 : memref<1x125x64xf32, #tpu.memory_space<vmem>> -> memref<125x64xf32, #tpu.memory_space<vmem>>
    %dma_wait3A_340 = arith.constant 0 : i32
    %dma_wait3A_341 = tpu.memref_slice %arg5[%dma_wait3A_334, %dma_wait3A_340] : memref<160x125xi32, #tpu.memory_space<vmem>> -> memref<1x125xi32, #tpu.memory_space<vmem>>
    %dma_wait3A_342 = tpu.memref_squeeze %dma_wait3A_341 : memref<1x125xi32, #tpu.memory_space<vmem>> -> memref<125xi32, #tpu.memory_space<vmem>>
    %dma_wait3A_343 = arith.constant 0 : i32
    %dma_wait3A_344 = arith.constant 0 : i32
    %dma_wait3A_345 = tpu.memref_slice %arg8[%dma_wait3A_343, %dma_wait3A_344] : memref<10000x64xf32, #tpu.memory_space<vmem_shared>> -> memref<10000x64xf32, #tpu.memory_space<vmem_shared>>
    %dma_wait3A_346 = tpu.memref_slice %arg10[%dma_wait3A_335] : memref<5x!tpu.dma_semaphore, #tpu.memory_space<semaphore_mem>> -> memref<1x!tpu.dma_semaphore, #tpu.memory_space<semaphore_mem>>
    %dma_wait3A_347 = tpu.memref_squeeze %dma_wait3A_346 : memref<1x!tpu.dma_semaphore, #tpu.memory_space<semaphore_mem>> -> memref<!tpu.dma_semaphore, #tpu.memory_space<semaphore_mem>>
    tpu.wait_indirect_dma semaphore(%dma_wait3A_347 : memref<!tpu.dma_semaphore, #tpu.memory_space<semaphore_mem>>) src(%dma_wait3A_339 : memref<125x64xf32, #tpu.memory_space<vmem>>) dst(%dma_wait3A_345 : memref<10000x64xf32, #tpu.memory_space<vmem_shared>>)
    %barrier3A_348 = arith.constant 0 : index
    tpu.barrier barrier_id(%barrier3A_348)
    %lt3A = arith.constant 15 : i32
    %lt3A_349 = arith.cmpi slt, %arg1, %lt3A : i32
    %convert_element_type3A_350 = arith.extui %lt3A_349 : i1 to i32
    %cond3A_351 = arith.constant 0 : i32
    %cond3A_352 = arith.cmpi ne, %convert_element_type3A_350, %cond3A_351 : i32
    scf.if %cond3A_352 {
      "tpu.region"() ({
        %run_scoped3A_358 = tpu.sem_alloc : memref<!tpu.dma_semaphore, #tpu.memory_space<semaphore_mem>>
        %dma_start3A_359 = arith.constant 0 : i32
        %dma_start3A_360 = tpu.memref_slice %arg4[%arg0, %mul3A_74, %dma_start3A_359] : memref<2x10000x64xf32, #tpu.memory_space<hbm>> -> memref<1x624x64xf32, #tpu.memory_space<hbm>>
        %dma_start3A_361 = tpu.memref_squeeze %dma_start3A_360 : memref<1x624x64xf32, #tpu.memory_space<hbm>> -> memref<624x64xf32, #tpu.memory_space<hbm>>
        %dma_start3A_362 = arith.constant 0 : i32
        %dma_start3A_363 = tpu.memref_slice %arg8[%mul3A_74, %dma_start3A_362] : memref<10000x64xf32, #tpu.memory_space<vmem_shared>> -> memref<624x64xf32, #tpu.memory_space<vmem_shared>>
        tpu.enqueue_dma source(%dma_start3A_363 : memref<624x64xf32, #tpu.memory_space<vmem_shared>>) target(%dma_start3A_361 : memref<624x64xf32, #tpu.memory_space<hbm>>) target_semaphore(%run_scoped3A_358 : memref<!tpu.dma_semaphore, #tpu.memory_space<semaphore_mem>>)
        %dma_wait3A_364 = arith.constant 0 : i32
        %dma_wait3A_365 = tpu.memref_slice %arg4[%arg0, %mul3A_74, %dma_wait3A_364] : memref<2x10000x64xf32, #tpu.memory_space<hbm>> -> memref<1x624x64xf32, #tpu.memory_space<hbm>>
        %dma_wait3A_366 = tpu.memref_squeeze %dma_wait3A_365 : memref<1x624x64xf32, #tpu.memory_space<hbm>> -> memref<624x64xf32, #tpu.memory_space<hbm>>
        %dma_wait3A_367 = arith.constant 0 : i32
        %dma_wait3A_368 = tpu.memref_slice %arg8[%mul3A_74, %dma_wait3A_367] : memref<10000x64xf32, #tpu.memory_space<vmem_shared>> -> memref<624x64xf32, #tpu.memory_space<vmem_shared>>
        tpu.wait_dma2 semaphore(%run_scoped3A_358 : memref<!tpu.dma_semaphore, #tpu.memory_space<semaphore_mem>>) src(%dma_wait3A_368 : memref<624x64xf32, #tpu.memory_space<vmem_shared>>) dst(%dma_wait3A_366 : memref<624x64xf32, #tpu.memory_space<hbm>>)
        tpu.yield
      }) : () -> ()
    } else {
    }
    %eq3A_353 = arith.constant 15 : i32
    %eq3A_354 = arith.cmpi eq, %arg1, %eq3A_353 : i32
    %convert_element_type3A_355 = arith.extui %eq3A_354 : i1 to i32
    %cond3A_356 = arith.constant 0 : i32
    %cond3A_357 = arith.cmpi ne, %convert_element_type3A_355, %cond3A_356 : i32
    scf.if %cond3A_357 {
      "tpu.region"() ({
        %run_scoped3A_358 = tpu.sem_alloc : memref<!tpu.dma_semaphore, #tpu.memory_space<semaphore_mem>>
        %dma_start3A_359 = arith.constant 0 : i32
        %dma_start3A_360 = tpu.memref_slice %arg4[%arg0, %mul3A_74, %dma_start3A_359] : memref<2x10000x64xf32, #tpu.memory_space<hbm>> -> memref<1x640x64xf32, #tpu.memory_space<hbm>>
        %dma_start3A_361 = tpu.memref_squeeze %dma_start3A_360 : memref<1x640x64xf32, #tpu.memory_space<hbm>> -> memref<640x64xf32, #tpu.memory_space<hbm>>
        %dma_start3A_362 = arith.constant 0 : i32
        %dma_start3A_363 = tpu.memref_slice %arg8[%mul3A_74, %dma_start3A_362] : memref<10000x64xf32, #tpu.memory_space<vmem_shared>> -> memref<640x64xf32, #tpu.memory_space<vmem_shared>>
        tpu.enqueue_dma source(%dma_start3A_363 : memref<640x64xf32, #tpu.memory_space<vmem_shared>>) target(%dma_start3A_361 : memref<640x64xf32, #tpu.memory_space<hbm>>) target_semaphore(%run_scoped3A_358 : memref<!tpu.dma_semaphore, #tpu.memory_space<semaphore_mem>>)
        %dma_wait3A_364 = arith.constant 0 : i32
        %dma_wait3A_365 = tpu.memref_slice %arg4[%arg0, %mul3A_74, %dma_wait3A_364] : memref<2x10000x64xf32, #tpu.memory_space<hbm>> -> memref<1x640x64xf32, #tpu.memory_space<hbm>>
        %dma_wait3A_366 = tpu.memref_squeeze %dma_wait3A_365 : memref<1x640x64xf32, #tpu.memory_space<hbm>> -> memref<640x64xf32, #tpu.memory_space<hbm>>
        %dma_wait3A_367 = arith.constant 0 : i32
        %dma_wait3A_368 = tpu.memref_slice %arg8[%mul3A_74, %dma_wait3A_367] : memref<10000x64xf32, #tpu.memory_space<vmem_shared>> -> memref<640x64xf32, #tpu.memory_space<vmem_shared>>
        tpu.wait_dma2 semaphore(%run_scoped3A_358 : memref<!tpu.dma_semaphore, #tpu.memory_space<semaphore_mem>>) src(%dma_wait3A_368 : memref<640x64xf32, #tpu.memory_space<vmem_shared>>) dst(%dma_wait3A_366 : memref<640x64xf32, #tpu.memory_space<hbm>>)
        tpu.yield
      }) : () -> ()
    } else {
    }
    return
  }
}

module attributes {stable_mosaic.version = 14 : i64} {
  func.func @_mlp_body(%arg0: memref<1x1xf32, #tpu.memory_space<smem>>, %arg1: memref<5000x256xf32, #tpu.memory_space<vmem>>, %arg2: memref<2x5000x128xf32, #tpu.memory_space<vmem>>, %arg3: memref<128x128xf32, #tpu.memory_space<vmem>>, %arg4: memref<1x128xf32, #tpu.memory_space<vmem>>, %arg5: memref<1x128xf32, #tpu.memory_space<vmem>>, %arg6: memref<1x128xf32, #tpu.memory_space<vmem>>, %arg7: memref<128x128xf32, #tpu.memory_space<vmem>>, %arg8: memref<1x128xf32, #tpu.memory_space<vmem>>, %arg9: memref<5000x256xf32, #tpu.memory_space<vmem>>) attributes {dimension_semantics = [], scalar_prefetch = 0 : i64, scratch_operands = 0 : i64, tpu.core_type = #tpu.core_type<tc>} {
    %get3A = arith.constant 0 : index
    %get3A_0 = arith.constant 0 : index
    %get3A_1 = vector.load %arg1[%get3A, %get3A_0] : memref<5000x256xf32, #tpu.memory_space<vmem>>, vector<5000x256xf32>
    %get3A_2 = arith.constant 0 : index
    %get3A_3 = arith.constant 0 : index
    %get3A_4 = arith.constant 0 : index
    %get3A_5 = vector.load %arg2[%get3A_2, %get3A_3, %get3A_4] : memref<2x5000x128xf32, #tpu.memory_space<vmem>>, vector<1x5000x128xf32>
    %get3A_6 = vector.shape_cast %get3A_5 : vector<1x5000x128xf32> to vector<5000x128xf32>
    %get3A_7 = arith.constant 1 : index
    %get3A_8 = arith.constant 0 : index
    %get3A_9 = arith.constant 0 : index
    %get3A_10 = vector.load %arg2[%get3A_7, %get3A_8, %get3A_9] : memref<2x5000x128xf32, #tpu.memory_space<vmem>>, vector<1x5000x128xf32>
    %get3A_11 = vector.shape_cast %get3A_10 : vector<1x5000x128xf32> to vector<5000x128xf32>
    %get3A_12 = arith.constant 0 : index
    %get3A_13 = arith.constant 0 : index
    %get3A_14 = memref.load %arg0[%get3A_12, %get3A_13] : memref<1x1xf32, #tpu.memory_space<smem>>
    %add3A = arith.constant 1.000000e+00 : f32
    %add3A_15 = arith.addf %add3A, %get3A_14 : f32
    %slice3A = vector.extract_strided_slice %get3A_6 {offsets = [0, 0], sizes = [5000, 64], strides = [1, 1]} : vector<5000x128xf32> to vector<5000x64xf32>
    %slice3A_16 = vector.extract_strided_slice %get3A_11 {offsets = [0, 0], sizes = [5000, 64], strides = [1, 1]} : vector<5000x128xf32> to vector<5000x64xf32>
    %concatenate3A = tpu.concatenate %slice3A, %slice3A_16 in 1 : vector<5000x64xf32>, vector<5000x64xf32> -> vector<5000x128xf32>
    %slice3A_17 = vector.extract_strided_slice %get3A_6 {offsets = [0, 64], sizes = [5000, 64], strides = [1, 1]} : vector<5000x128xf32> to vector<5000x64xf32>
    %slice3A_18 = vector.extract_strided_slice %get3A_11 {offsets = [0, 64], sizes = [5000, 64], strides = [1, 1]} : vector<5000x128xf32> to vector<5000x64xf32>
    %concatenate3A_19 = tpu.concatenate %slice3A_17, %slice3A_18 in 1 : vector<5000x64xf32>, vector<5000x64xf32> -> vector<5000x128xf32>
    %slice3A_20 = vector.extract_strided_slice %get3A_1 {offsets = [0, 0], sizes = [5000, 128], strides = [1, 1]} : vector<5000x256xf32> to vector<5000x128xf32>
    %mul3A = vector.broadcast %add3A_15 : f32 to vector<5000x128xf32>
    %mul3A_21 = arith.mulf %mul3A, %slice3A_20 : vector<5000x128xf32>
    %add3A_22 = arith.addf %mul3A_21, %concatenate3A : vector<5000x128xf32>
    %slice3A_23 = vector.extract_strided_slice %get3A_1 {offsets = [0, 128], sizes = [5000, 128], strides = [1, 1]} : vector<5000x256xf32> to vector<5000x128xf32>
    %mul3A_24 = vector.broadcast %add3A_15 : f32 to vector<5000x128xf32>
    %mul3A_25 = arith.mulf %mul3A_24, %slice3A_23 : vector<5000x128xf32>
    %add3A_26 = arith.addf %mul3A_25, %concatenate3A_19 : vector<5000x128xf32>
    %get3A_27 = arith.constant 0 : index
    %get3A_28 = arith.constant 0 : index
    %get3A_29 = vector.load %arg3[%get3A_27, %get3A_28] : memref<128x128xf32, #tpu.memory_space<vmem>>, vector<128x128xf32>
    %dot_general3A = arith.constant dense<0.000000e+00> : vector<5000x128xf32>
    %dot_general3A_30 = tpu.matmul %add3A_22, %get3A_29, %dot_general3A {dimension_numbers = #tpu.dot_dimension_numbers<[1], [1], [0], [0], [0, 0, 1, 0], [], []>, transpose_lhs_hint = false} : vector<5000x128xf32>, vector<128x128xf32>, vector<5000x128xf32> -> vector<5000x128xf32>
    %get3A_31 = arith.constant 0 : index
    %get3A_32 = arith.constant 0 : index
    %get3A_33 = vector.load %arg4[%get3A_31, %get3A_32] : memref<1x128xf32, #tpu.memory_space<vmem>>, vector<1x128xf32>
    %add3A_34 = vector.broadcast %get3A_33 : vector<1x128xf32> to vector<5000x128xf32>
    %add3A_35 = arith.addf %dot_general3A_30, %add3A_34 : vector<5000x128xf32>
    %get3A_36 = arith.constant 0 : index
    %get3A_37 = arith.constant 0 : index
    %get3A_38 = vector.load %arg3[%get3A_36, %get3A_37] : memref<128x128xf32, #tpu.memory_space<vmem>>, vector<128x128xf32>
    %dot_general3A_39 = arith.constant dense<0.000000e+00> : vector<5000x128xf32>
    %dot_general3A_40 = tpu.matmul %add3A_26, %get3A_38, %dot_general3A_39 {dimension_numbers = #tpu.dot_dimension_numbers<[1], [1], [0], [0], [0, 0, 1, 0], [], []>, transpose_lhs_hint = false} : vector<5000x128xf32>, vector<128x128xf32>, vector<5000x128xf32> -> vector<5000x128xf32>
    %get3A_41 = arith.constant 0 : index
    %get3A_42 = arith.constant 0 : index
    %get3A_43 = vector.load %arg4[%get3A_41, %get3A_42] : memref<1x128xf32, #tpu.memory_space<vmem>>, vector<1x128xf32>
    %add3A_44 = vector.broadcast %get3A_43 : vector<1x128xf32> to vector<5000x128xf32>
    %add3A_45 = arith.addf %dot_general3A_40, %add3A_44 : vector<5000x128xf32>
    %reduce_sum3A = arith.constant dense<0.000000e+00> : vector<128xf32>
    %reduce_sum3A_46 = vector.multi_reduction <add>, %add3A_35, %reduce_sum3A [0] : vector<5000x128xf32> to vector<128xf32>
    %broadcast_in_dim3A = vector.shape_cast %reduce_sum3A_46 : vector<128xf32> to vector<1x128xf32>
    %reduce_sum3A_47 = arith.constant dense<0.000000e+00> : vector<128xf32>
    %reduce_sum3A_48 = vector.multi_reduction <add>, %add3A_45, %reduce_sum3A_47 [0] : vector<5000x128xf32> to vector<128xf32>
    %broadcast_in_dim3A_49 = vector.shape_cast %reduce_sum3A_48 : vector<128xf32> to vector<1x128xf32>
    %add3A_50 = arith.addf %broadcast_in_dim3A, %broadcast_in_dim3A_49 : vector<1x128xf32>
    %mul3A_51 = arith.constant 9.99999974E-5 : f32
    %mul3A_52 = vector.broadcast %mul3A_51 : f32 to vector<1x128xf32>
    %mul3A_53 = arith.mulf %add3A_50, %mul3A_52 : vector<1x128xf32>
    %sub3A = vector.broadcast %mul3A_53 : vector<1x128xf32> to vector<5000x128xf32>
    %sub3A_54 = arith.subf %add3A_35, %sub3A : vector<5000x128xf32>
    %sub3A_55 = vector.broadcast %mul3A_53 : vector<1x128xf32> to vector<5000x128xf32>
    %sub3A_56 = arith.subf %add3A_45, %sub3A_55 : vector<5000x128xf32>
    %mul3A_57 = arith.mulf %sub3A_54, %sub3A_54 : vector<5000x128xf32>
    %reduce_sum3A_58 = arith.constant dense<0.000000e+00> : vector<128xf32>
    %reduce_sum3A_59 = vector.multi_reduction <add>, %mul3A_57, %reduce_sum3A_58 [0] : vector<5000x128xf32> to vector<128xf32>
    %broadcast_in_dim3A_60 = vector.shape_cast %reduce_sum3A_59 : vector<128xf32> to vector<1x128xf32>
    %mul3A_61 = arith.mulf %sub3A_56, %sub3A_56 : vector<5000x128xf32>
    %reduce_sum3A_62 = arith.constant dense<0.000000e+00> : vector<128xf32>
    %reduce_sum3A_63 = vector.multi_reduction <add>, %mul3A_61, %reduce_sum3A_62 [0] : vector<5000x128xf32> to vector<128xf32>
    %broadcast_in_dim3A_64 = vector.shape_cast %reduce_sum3A_63 : vector<128xf32> to vector<1x128xf32>
    %add3A_65 = arith.addf %broadcast_in_dim3A_60, %broadcast_in_dim3A_64 : vector<1x128xf32>
    %mul3A_66 = arith.constant 9.99999974E-5 : f32
    %mul3A_67 = vector.broadcast %mul3A_66 : f32 to vector<1x128xf32>
    %mul3A_68 = arith.mulf %add3A_65, %mul3A_67 : vector<1x128xf32>
    %add3A_69 = arith.constant 9.99999974E-6 : f32
    %add3A_70 = vector.broadcast %add3A_69 : f32 to vector<1x128xf32>
    %add3A_71 = arith.addf %mul3A_68, %add3A_70 : vector<1x128xf32>
    %rsqrt3A = math.rsqrt %add3A_71 : vector<1x128xf32>
    %get3A_72 = arith.constant 0 : index
    %get3A_73 = arith.constant 0 : index
    %get3A_74 = vector.load %arg5[%get3A_72, %get3A_73] : memref<1x128xf32, #tpu.memory_space<vmem>>, vector<1x128xf32>
    %mul3A_75 = arith.mulf %rsqrt3A, %get3A_74 : vector<1x128xf32>
    %mul3A_76 = vector.broadcast %mul3A_75 : vector<1x128xf32> to vector<5000x128xf32>
    %mul3A_77 = arith.mulf %sub3A_54, %mul3A_76 : vector<5000x128xf32>
    %get3A_78 = arith.constant 0 : index
    %get3A_79 = arith.constant 0 : index
    %get3A_80 = vector.load %arg6[%get3A_78, %get3A_79] : memref<1x128xf32, #tpu.memory_space<vmem>>, vector<1x128xf32>
    %add3A_81 = vector.broadcast %get3A_80 : vector<1x128xf32> to vector<5000x128xf32>
    %add3A_82 = arith.addf %mul3A_77, %add3A_81 : vector<5000x128xf32>
    %max3A = arith.constant 0.000000e+00 : f32
    %max3A_83 = vector.broadcast %max3A : f32 to vector<5000x128xf32>
    %max3A_84 = arith.maximumf %add3A_82, %max3A_83 : vector<5000x128xf32>
    %mul3A_85 = vector.broadcast %mul3A_75 : vector<1x128xf32> to vector<5000x128xf32>
    %mul3A_86 = arith.mulf %sub3A_56, %mul3A_85 : vector<5000x128xf32>
    %get3A_87 = arith.constant 0 : index
    %get3A_88 = arith.constant 0 : index
    %get3A_89 = vector.load %arg6[%get3A_87, %get3A_88] : memref<1x128xf32, #tpu.memory_space<vmem>>, vector<1x128xf32>
    %add3A_90 = vector.broadcast %get3A_89 : vector<1x128xf32> to vector<5000x128xf32>
    %add3A_91 = arith.addf %mul3A_86, %add3A_90 : vector<5000x128xf32>
    %max3A_92 = arith.constant 0.000000e+00 : f32
    %max3A_93 = vector.broadcast %max3A_92 : f32 to vector<5000x128xf32>
    %max3A_94 = arith.maximumf %add3A_91, %max3A_93 : vector<5000x128xf32>
    %get3A_95 = arith.constant 0 : index
    %get3A_96 = arith.constant 0 : index
    %get3A_97 = vector.load %arg7[%get3A_95, %get3A_96] : memref<128x128xf32, #tpu.memory_space<vmem>>, vector<128x128xf32>
    %dot_general3A_98 = arith.constant dense<0.000000e+00> : vector<5000x128xf32>
    %dot_general3A_99 = tpu.matmul %max3A_84, %get3A_97, %dot_general3A_98 {dimension_numbers = #tpu.dot_dimension_numbers<[1], [1], [0], [0], [0, 0, 1, 0], [], []>, transpose_lhs_hint = false} : vector<5000x128xf32>, vector<128x128xf32>, vector<5000x128xf32> -> vector<5000x128xf32>
    %get3A_100 = arith.constant 0 : index
    %get3A_101 = arith.constant 0 : index
    %get3A_102 = vector.load %arg8[%get3A_100, %get3A_101] : memref<1x128xf32, #tpu.memory_space<vmem>>, vector<1x128xf32>
    %add3A_103 = vector.broadcast %get3A_102 : vector<1x128xf32> to vector<5000x128xf32>
    %add3A_104 = arith.addf %dot_general3A_99, %add3A_103 : vector<5000x128xf32>
    %get3A_105 = arith.constant 0 : index
    %get3A_106 = arith.constant 0 : index
    %get3A_107 = vector.load %arg7[%get3A_105, %get3A_106] : memref<128x128xf32, #tpu.memory_space<vmem>>, vector<128x128xf32>
    %dot_general3A_108 = arith.constant dense<0.000000e+00> : vector<5000x128xf32>
    %dot_general3A_109 = tpu.matmul %max3A_94, %get3A_107, %dot_general3A_108 {dimension_numbers = #tpu.dot_dimension_numbers<[1], [1], [0], [0], [0, 0, 1, 0], [], []>, transpose_lhs_hint = false} : vector<5000x128xf32>, vector<128x128xf32>, vector<5000x128xf32> -> vector<5000x128xf32>
    %get3A_110 = arith.constant 0 : index
    %get3A_111 = arith.constant 0 : index
    %get3A_112 = vector.load %arg8[%get3A_110, %get3A_111] : memref<1x128xf32, #tpu.memory_space<vmem>>, vector<1x128xf32>
    %add3A_113 = vector.broadcast %get3A_112 : vector<1x128xf32> to vector<5000x128xf32>
    %add3A_114 = arith.addf %dot_general3A_109, %add3A_113 : vector<5000x128xf32>
    %concatenate3A_115 = tpu.concatenate %add3A_104, %add3A_114 in 1 : vector<5000x128xf32>, vector<5000x128xf32> -> vector<5000x256xf32>
    %swap3A = arith.constant 0 : index
    %swap3A_116 = arith.constant 0 : index
    %swap3A_117 = vector.load %arg9[%swap3A, %swap3A_116] : memref<5000x256xf32, #tpu.memory_space<vmem>>, vector<5000x256xf32>
    tpu.vector_store %arg9[%swap3A, %swap3A_116], %concatenate3A_115 {strides = array<i32>} : memref<5000x256xf32, #tpu.memory_space<vmem>>, vector<5000x256xf32>,
    return
  }
}

</mosaic_0001>

<sc_bundles>
// kernel: kernel.4.cloned.1.call-start
scs
__scs_entry_jumppad:
0x0: {  	(pc) =	sbr.rel $0x88, $3  }
0x1: {  	(tag) =	ssettag $0x0;
	lr =	simm.s32 $0x1  }
0x2: {  	[smem:$0x3F98] =	sst lr;
	_ =	strace $0xD0000000  }
0x3: {  	_ = 	snop  }
0x4: {  	_ = 	snop  }
0x5: {  	_ = 	snop  }
0x6: {  	_ = 	snop  }
0x7: {  	_ = 	snop  }
__scs_overlays_trampoline_lowered:
0x8: {  	[smem:$0x3FA7] =	sst s0  }
0x9: {  	[smem:$0x3FA8] =	sst s1  }
0xa: {  	[smem:$0x3FA9] =	sst s2  }
0xb: {  	[smem:$0x3FAA] =	sst s3  }
0xc: {  	[smem:$0x3FAB] =	sst s4  }
0xd: {  	[smem:$0x3FAC] =	sst s5  }
0xe: {  	[smem:$0x3FAD] =	sst s6  }
0xf: {  	[smem:$0x3FAE] =	sst s7  }
0x10: {  	[smem:$0x3FAF] =	sst s8  }
0x11: {  	[smem:$0x3FB0] =	sst s9;
	s0 =	simm.s32 @!p0 $0x0  }
0x12: {  	s1 =	sld [smem:$0x3F96];
	s0 =	simm.s32 @p0 $0x1  }
0x13: {  	[smem:$0x3FB1] =	sst s0;
	s0 =	simm.s32 @!p1 $0x0  }
0x14: {  	s2 =	sld [smem:$0x3F95];
	s0 =	simm.s32 @p1 $0x1  }
0x15: {  	[smem:$0x3FB2] =	sst s0;
	s0 =	simm.s32 @!p2 $0x0  }
0x16: {  	s3 =	sld [smem:$0x3FDB];
	s0 =	simm.s32 @p2 $0x1  }
0x17: {  	s4 =	simm.s32 $0x1BF5;
	[smem:$0x3FB4] =	sst s0  }
0x18: {  	s0 =	sld [smem:$0x3F97];
	_ =	swait.ge [sflag:s4], $0x0  }
0x19: {  	s7 =	sld [smem:$0x3F98]  }
0x1a: {  	s8 =	sadd.s32 $0xFFFFE003, lr  }
0x1b: {  	s9 =	sadd.s32 $0xFFFFFEF7, lr;
	s5 =	simm.s32 $0xFFFFFFFF;
	p2 =	slt.u32 s8, $0xFFFFF086  }
0x1c: {  	p1 =	slt.u32 s9, $0xF7A;
	s5 =	simm.s32 @!p2 $0x0  }
0x1d: {  	s5 =	simm.s32 @p1 $0x1;
	p0 =	seq.s32 s7, s2  }
0x1e: {  	s7 =	smul.u32 @!p0 $0xF7A, s2;
	p2 =	seq.s32 @!p0 s5, $0x0  }
0x1f: {  	s9 =	smul.u32 $0xF7A, s1;
	s8 =	simm.s32 @!p0 $0x1BF5;
	p2 =	por !p2, p0  }
0x20: {  	[sflag:s8] =	ssyncset.s32 @!p0 $0xFFFFF086;
	s6 =	sadd.s32 @!p0 s3, s7;
	s7 =	simm.s32 @!p0 $0x108  }
0x21: {  	s3 =	sadd.s32 s3, s9;
	s6 =	sadd.s32 @!p0 $0x88, s6;
	s7 =	simm.s32 @p2 $0x1082  }
0x22: {  	[simem:s7], [sflag:s8] =	dma.local @!p0 [hbm:s6], $0xF7A  }
0x23: {  	s9 =	sor.u32 $0xD0000000, s2;
	s6 =	simm.s32 $0x108;
	_ =	swait.ge @!p0 [sflag:s8], $0x0  }
0x24: {  	s3 =	sadd.s32 $0x88, s3;
	s6 =	simm.s32 @!p1 $0x1082;
	[sflag:s4] =	ssyncset.s32 $0xFFFFF086  }
0x25: {  	[simem:s6], [sflag:s4] =	dma.local [hbm:s3], $0xF7A  }
0x26: {  	[smem:$0x3F98] =	sst s1;
	(tag) =	ssettag s2;
	_ =	strace s9  }
0x27: {  	s1 =	sld [smem:$0x3FA8]  }
0x28: {  	s2 =	sld [smem:$0x3FA9]  }
0x29: {  	s4 =	sld [smem:$0x3FAB]  }
0x2a: {  	p0 =	seq.s32 s5, $0x0;
	s5 =	sld [smem:$0x3FAC]  }
0x2b: {  	s6 =	sld [smem:$0x3FAD]  }
0x2c: {  	s7 =	sld [smem:$0x3FAE]  }
0x2d: {  	s3 =	simm.s32 $0x108;
	s8 =	sld [smem:$0x3FAF]  }
0x2e: {  	s3 =	simm.s32 @!p0 $0x1082;
	s9 =	sld [smem:$0x3FB0]  }
0x2f: {  	lr =	sadd.s32 s0, s3;
	s0 =	sld [smem:$0x3FA7]  }
0x30: {  	s3 =	sld [smem:$0x3FAA]  }
0x31: {  	[smem:$0x3FB3] =	sst s10  }
0x32: {  	s10 =	sld [smem:$0x3FB1];
	_ =	sdelay $0x3  }
0x33: {  	p0 =	seq.s32 s10, $0x1;
	s10 =	sld [smem:$0x3FB3];
	_ =	sdelay $0x3  }
0x34: {  	[smem:$0x3FB3] =	sst s10  }
0x35: {  	s10 =	sld [smem:$0x3FB2];
	_ =	sdelay $0x3  }
0x36: {  	p1 =	seq.s32 s10, $0x1;
	s10 =	sld [smem:$0x3FB3];
	_ =	sdelay $0x3  }
0x37: {  	[smem:$0x3FB3] =	sst s10  }
0x38: {  	s10 =	sld [smem:$0x3FB4]  }
0x39: {  	_ = 	snop;
	(pc) =	sbr.ind lr, $3  }
0x3a: {  	_ = 	snop  }
0x3b: {  	_ = 	snop  }
0x3c: {  	p2 =	seq.s32 s10, $0x1;
	s10 =	sld [smem:$0x3FB3]  }
0x3d: {  	_ =	shalt  }
0x3e: {  	_ =	shalt  }
0x3f: {  	_ =	shalt  }
0x40: {  	_ =	shalt  }
0x41: {  	_ =	shalt  }
0x42: {  	_ =	shalt  }
0x43: {  	_ =	shalt  }
0x44: {  	_ =	shalt  }
0x45: {  	_ =	shalt  }
0x46: {  	_ =	shalt  }
0x47: {  	_ =	shalt  }
0x48: {  	_ =	shalt  }
0x49: {  	_ =	shalt  }
0x4a: {  	_ =	shalt  }
0x4b: {  	_ =	shalt  }
0x4c: {  	_ =	shalt  }
0x4d: {  	_ =	shalt  }
0x4e: {  	_ =	shalt  }
0x4f: {  	_ =	shalt  }
0x50: {  	_ =	shalt  }
0x51: {  	_ =	shalt  }
0x52: {  	_ =	shalt  }
0x53: {  	_ =	shalt  }
0x54: {  	_ =	shalt  }
0x55: {  	_ =	shalt  }
0x56: {  	_ =	shalt  }
0x57: {  	_ =	shalt  }
0x58: {  	_ =	shalt  }
0x59: {  	_ =	shalt  }
0x5a: {  	_ =	shalt  }
0x5b: {  	_ =	shalt  }
0x5c: {  	_ =	shalt  }
0x5d: {  	_ =	shalt  }
0x5e: {  	_ =	shalt  }
0x5f: {  	_ =	shalt  }
0x60: {  	_ =	shalt  }
0x61: {  	_ =	shalt  }
0x62: {  	_ =	shalt  }
0x63: {  	_ =	shalt  }
0x64: {  	_ =	shalt  }
0x65: {  	_ =	shalt  }
0x66: {  	_ =	shalt  }
0x67: {  	_ =	shalt  }
0x68: {  	_ =	shalt  }
0x69: {  	_ =	shalt  }
0x6a: {  	_ =	shalt  }
0x6b: {  	_ =	shalt  }
0x6c: {  	_ =	shalt  }
0x6d: {  	_ =	shalt  }
0x6e: {  	_ =	shalt  }
0x6f: {  	_ =	shalt  }
0x70: {  	_ =	shalt  }
0x71: {  	_ =	shalt  }
0x72: {  	_ =	shalt  }
0x73: {  	_ =	shalt  }
0x74: {  	_ =	shalt  }
0x75: {  	_ =	shalt  }
0x76: {  	_ =	shalt  }
0x77: {  	_ =	shalt  }
0x78: {  	_ =	shalt  }
0x79: {  	_ =	shalt  }
0x7a: {  	_ =	shalt  }
0x7b: {  	_ =	shalt  }
0x7c: {  	_ =	shalt  }
0x7d: {  	_ =	shalt  }
0x7e: {  	_ =	shalt  }
0x7f: {  	_ =	shalt  }
0x80: {  	_ =	shalt  }
0x81: {  	_ =	shalt  }
0x82: {  	_ =	shalt  }
0x83: {  	_ =	shalt  }
0x84: {  	_ =	shalt  }
0x85: {  	_ =	shalt  }
0x86: {  	_ =	shalt  }
0x87: {  	_ =	shalt  }
.Lfunc_end0:
.L_simem_size_0:
called_computation_lowered:
.L_overlay_start_0:
0x88: {  	s2 =	sld [smem:$0x3FD9]  }
0x89: {  	s3 =	sld [smem:$0x3FFE];
	_ =	sdelay $0x1  }
0x8a: {  	s1 =	srdreg.scid  }
0x8b: {  	s0 =	sand.u32 $0x1, s1  }
0x8c: {  	s17 =	sshll.u32 s0, $0xA;
	s2 =	sadd.s32 s3, s2  }
0x8d: {  	s2 =	sadd.s32 s2, s17  }
0x8e: {  	[smem:$0x3FBF] =	sst s2  }
0x8f: {  	_ = 	snop  }
0x90: {  	s2 =	sld [smem:$0x3FC9]  }
0x91: {  	s18 =	sld [smem:$0x3FD0];
	(tm) =	ssettm $0x1  }
0x92: {  	s4 =	sld [smem:$0x3FFB];
	_ =	sdelay $0x3  }
0x93: {  	_ =	strace s4  }
0x94: {  	s4 =	sld [smem:$0x3FFC];
	_ =	sdelay $0x3  }
0x95: {  	_ =	strace s4  }
0x96: {  	s4 =	sld [smem:$0x3FFD];
	_ =	sdelay $0x3  }
0x97: {  	_ =	strace s4  }
0x98: {  	_ =	strace $0x8FFFFFFF  }
0x99: {  	s19 =	sld [smem:$0x3FDB];
	_ =	sdelay $0x1  }
0x9a: {  	s5 =	simm.s32 $_scs_section_size  }
0x9b: {  	s6 =	simm.s32 $_size__tile_overlayer_lowered;
	s7 =	simm.s32 $_tile_overlayer_lowered  }
0x9c: {  	s22 =	simm.s32 $0x1BFF;
	s21 =	sshll.u32 s7, $0x1;
	s4 =	sadd.s32 s5, s19  }
0x9d: {  	s8 =	simm.s32 $0x0;
	s20 =	sshll.u32 s6, $0x1;
	s6 =	sadd.s32 s21, s4  }
0x9e: {  	[timem:s8], [sflag:s22] =	dma.local [hbm:s6], s20  }
0x9f: {  	_ =	swait.ge [sflag:s22], s20  }
0xa0: {  	s5 =	ssub.s32 $0x0, s20;
	[sflag:s22] =	ssyncset.done $0x0  }
0xa1: {  	[sflag:s22] =	ssyncadd.s32 s5;
	_ =	sdelay $0x1  }
0xa2: {  	s23 =	simm.s32 $0x1B8B  }
0xa3: {  	_ =	swait.ge [sflag:s23], $0x1  }
0xa4: {  	[sflag:s23] =	ssyncset.done $0x0  }
0xa5: {  	s25 =	simm.s32 $0x1B8E;
	s24 =	sld [smem:$0x3FFE];
	[sflag:s23] =	ssyncadd.s32 $0xFFFFFFFF  }
0xa6: {  	s26 =	simm.s32 $execute0_lowered;
	[smem:$0x3FD2] =	sst s25  }
0xa7: {  	s6 =	sshll.u32 s26, $0x1;
	_ =	strace $0x80000046;
	[dreg:$0x1] =	wrdreg $0xFFFFFFFF  }
0xa8: {  	s28 =	simm.s32 $_size_execute0_lowered;
	s4 =	sadd.s32 s4, s6;
	[dreg:$0x0] =	wrdreg $0x0  }
0xa9: {  	s6 =	sshll.u32 s28, $0x1;
	[dreg:$0x2] =	wrdreg s4  }
0xaa: {  	[dreg:$0x3] =	wrdreg s6  }
0xab: {  	[dreg:$0x4] =	wrdreg $0xC0  }
0xac: {  	_ =	task [dreg:s8], $0x5FFFF  }
0xad: {  	[dreg:$0x1] =	wrdreg $0xFFFFFFFF  }
0xae: {  	[dreg:$0x0] =	wrdreg $0x60  }
0xaf: {  	[dreg:$0x2] =	wrdreg s24  }
0xb0: {  	[dreg:$0x3] =	wrdreg s2  }
0xb1: {  	[dreg:$0x4] =	wrdreg s18  }
0xb2: {  	[dreg:$0x5] =	wrdreg $0x13C400  }
0xb3: {  	[dreg:$0x6] =	wrdreg $0x9  }
0xb4: {  	_ =	task.clear_ibuf [dreg:s8], $0x7FFFF;
	_ =	strace $0x90000046  }
0xb5: {  	s29 =	simm.s32 $0x9;
	_ =	strace $0x80000048  }
0xb6: {  	_ =	swait.ge [sflag:s29], $0x1  }
0xb7: {  	[sflag:s29] =	ssyncadd.s32 $0xFFFFFFFF  }
0xb8: {  	_ =	strace $0x90000048  }
0xb9: {  	_ =	sfence  }
0xba: {  	s30 =	sld [smem:$0x0];
	_ =	sdelay $0x2  }
0xbb: {  	s31 =	sshll.u32 s1, $0xD;
	s1 =	sshrl.u32 s1, $0x2  }
0xbc: {  	s3 =	sand.u32 $0x4000, s31;
	s1 =	sadd.s32 s1, s30  }
0xbd: {  	s0 =	sor.u32 s3, s0;
	s1 =	sshll.u32 s1, $0x11  }
0xbe: {  	s0 =	sor.u32 s1, s0  }
0xbf: {  	s0 =	sadd.s32 $0x8F2B, s0  }
0xc0: {  	[sflag:s0] =	ssyncadd.remote.s32 $0x1  }
0xc1: {  	_ =	sfence.sel $0xFFFF  }
0xc2: {  	[dreg:$0x0] =	wrdreg $0xFFFFFFFF;
	(pc) =	sbr.abs _section_cstart, $3  }
0xc3: {  	[dreg:$0x1] =	wrdreg $0xFFFFFFFF  }
0xc4: {  	_ =	task.clear_ibuf [dreg:s8], $0x2FFFF;
	_ =	strace $0x9FFFFFFF  }
0xc5: {  	(tm) =	ssettm $0x7FFFFFFF  }
tec
execute0_lowered:
.L_overlay_start_1:
0x0: {  	(tag) =	ssettag $0x1  }
0x1: {  	s0 =	rddreg [dreg:$0x0]  }
0x2: {  	s1 =	rddreg [dreg:$0x1]  }
0x3: {  	s3 =	rddreg [dreg:$0x2]  }
0x4: {  	s2 =	rddreg [dreg:$0x3]  }
0x5: {  	s9 =	stileid.u32;
	s4 =	srdreg.scid  }
0x6: {  	s6 =	simm.s32 $0x0;
	s16 =	simm.s32 $0xB;
	s28 =	simm.s32 $0xA000  }
0x7: {  	s29 =	simm.s32 $0x1;
	s30 =	simm.s32 $0x2;
	s5 =	smul.u32 $0x5000, s9  }
0x8: {  	s31 =	simm.s32 $0x3;
	s4 =	sand.u32 $0x1, s4;
	s19 =	smul.u32 $0x27000, s9  }
0x9: {  	[smem:$0x7FF] =	sst s6;
	s8 =	smul.u32 $0x9C00, s9;
	s12 =	sadd.s32 $0x9C000, s2  }
0xa: {  	p0 =	sne.s32 s9, $0xF;
	p1 =	seq.s32 s9, $0xF;
	s17 =	ssub.s32 $0x2, s4  }
0xb: {  	_ =	strace $0x80000047;
	s21 =	sshll.u32 s4, $0x3;
	s23 =	smul.u32 $0x9C400, s4  }
0xc: {  	s4 =	simm.s32 $0x0;
	s5 =	sshrl.u32 s5, $0x3;
	s7 =	sshrl.u32 s17, $0x1  }
0xd: {  	s6 =	sadd.s32 s1, s21;
	s22 =	sshrl.u32 s19, $0x2;
	s19 =	simm.s32 $0x5  }
0xe: {  	s21 =	simm.s32 $0x6;
	s0 =	sadd.s32 s5, s0;
	s18 =	ssub.s32 s17, s7  }
0xf: {  	s7 =	sadd.s32 s8, s2;
	s26 =	sadd.s32 s8, s23;
	s1 =	sshrl.u32 s23, $0x3  }
0x10: {  	s17 =	simm.s32 $0x5000;
	s23 =	simm.s32 $0x7;
	s20 =	sadd.s32 $0x1C00, s0  }
0x11: {  	s0 =	sadd.s32 $0xBC00, s0;
	s1 =	sadd.s32 s3, s1;
	[dreg:$0x5] =	wrdreg s20  }
0x12: {  	s15 =	smax.u32 s18, $0x1;
	s18 =	simm.s32 $0x7D;
	[dreg:$0x6] =	wrdreg s0  }
0x13: {  	s0 =	sadd.s32 s22, s2;
	s14 =	sadd.s32 $0x12480, s1;
	s20 =	simm.s32 $0xBF40  }
0x14: {  	s22 =	simm.s32 $0xDE80;
	s1 =	simm.s32 $0x9;
	s24 =	sadd.s32 $0x1F40, s0  }
0x15: {  	s25 =	sadd.s32 $0x3E80, s0;
	s10 =	sadd.s32 $0x5DC0, s0;
	s11 =	sadd.s32 $0x7D00, s0  }
0x16: {  	s0 =	sshrl.u32 s26, $0x3;
	s26 =	simm.s32 $0x11D00;
	[dreg:$0x7] =	wrdreg s24  }
0x17: {  	[dreg:$0x8] =	wrdreg s25;
	s13 =	sadd.s32 s3, s0;
	s24 =	simm.s32 $0xFDC0  }
0x18: {  	v0 =	vimm.f32 $0.0e+00;
	s0 =	simm.s32 $0x4;
	s25 =	simm.s32 $0x8;
	s3 =	simm.s32 $0xA  }
.LBB2_1:
0x19: {  	s5 =	simm.s32 $0x0;
	s8 =	rddreg [dreg:$0x5]  }
0x1a: {  	[tilespmem:s5], [sflag:$0xB] =	stream.linear.gather [hbm4b:s8+s5], $0x5000, $0x38;
	[tilespmem:$0x1D880] =	vst v63  }
0x1b: {  	_ =	swait.ge [sflag:s16], $0x5000  }
0x1c: {  	[sflag:s16] =	ssyncset.done $0x0  }
0x1d: {  	s9 =	rddreg [dreg:$0x6];
	[sflag:s16] =	ssyncadd.s32 $0xFFFFB000  }
0x1e: {  	[tilespmem:s17], [sflag:$0xB] =	stream.linear.gather [hbm4b:s9+s5], $0x5000, $0x38;
	[tilespmem:$0x1D880] =	vst v63  }
0x1f: {  	_ =	swait.ge [sflag:s16], $0x5000  }
0x20: {  	[sflag:s16] =	ssyncset.done $0x0  }
0x21: {  	s8 =	simm.s32 $0x5080;
	[sflag:s16] =	ssyncadd.s32 $0xFFFFB000  }
0x22: {  	[tilespmem:s20], [sflag:$0x2] =	stream.indirect.gather [hbm4b:s6+s18], $0x40, s8, s18, $0xb8;
	[tilespmem:$0x1D880] =	vst v63  }
0x23: {  	s9 =	simm.s32 $0x5100  }
0x24: {  	[tilespmem:s22], [sflag:$0x3] =	stream.indirect.gather [hbm4b:s6+s18], $0x40, s9, s18, $0xb8;
	[tilespmem:$0x1D880] =	vst v63  }
0x25: {  	s8 =	simm.s32 $0x5180  }
0x26: {  	[tilespmem:s24], [sflag:$0x4] =	stream.indirect.gather [hbm4b:s6+s18], $0x40, s8, s18, $0xb8;
	[tilespmem:$0x1D880] =	vst v63  }
0x27: {  	s5 =	simm.s32 $0x0;
	s9 =	simm.s32 $0x5200;
	s8 =	simm.s32 $0x100  }
0x28: {  	[tilespmem:s26], [sflag:$0x5] =	stream.indirect.gather [hbm4b:s6+s18], $0x40, s9, s18, $0xb8;
	[tilespmem:$0x1D880] =	vst v63  }
.LBB2_2:
0x29: {  	p2 =	sne.s32 s8, $0x7C00;
	[tilespmem:s5+$0xA030] =	vst v0;
	s9 =	smov.u32 s8;
	s8 =	sadd.s32 $0x100, s8  }
.Ltmp0:
0x2a: {  	[tilespmem:s5+$0xA020] =	vst v0;
	(pc) =	sbr.rel @p2 .LBB2_2-.Ltmp0, $3  }
0x2b: {  	[tilespmem:s5+$0xA000] =	vst v0  }
0x2c: {  	[tilespmem:s5+$0xA010] =	vst v0;
	_ =	sdelay $0x1  }
0x2d: {  	s5 =	sshra.s32 s9, $0x2  }
0x2e: {  	[tilespmem:s5+$0xA030] =	vst v0  }
0x2f: {  	[tilespmem:s5+$0xA020] =	vst v0  }
0x30: {  	[tilespmem:s5+$0xA000] =	vst v0  }
0x31: {  	[tilespmem:s5+$0xA010] =	vst v0  }
0x32: {  	[spmem:s7] =	stream.linear.scatter [tilespmem:s28], [sflag:$0xB], $0x1F40, $0x38;
	[tilespmem:$0x1D880] =	vst v63  }
0x33: {  	_ =	swait.ge [sflag:s16], $0x1F40  }
0x34: {  	[sflag:s16] =	ssyncset.done $0x0  }
0x35: {  	s9 =	rddreg [dreg:$0x7];
	[sflag:s16] =	ssyncadd.s32 $0xFFFFE0C0  }
0x36: {  	[spmem:s9] =	stream.linear.scatter [tilespmem:s28], [sflag:$0xB], $0x1F40, $0x38;
	[tilespmem:$0x1D880] =	vst v63  }
0x37: {  	_ =	swait.ge [sflag:s16], $0x1F40  }
0x38: {  	[sflag:s16] =	ssyncset.done $0x0  }
0x39: {  	s8 =	rddreg [dreg:$0x8];
	[sflag:s16] =	ssyncadd.s32 $0xFFFFE0C0  }
0x3a: {  	[spmem:s8] =	stream.linear.scatter [tilespmem:s28], [sflag:$0xB], $0x1F40, $0x38;
	[tilespmem:$0x1D880] =	vst v63  }
0x3b: {  	_ =	swait.ge [sflag:s16], $0x1F40  }
0x3c: {  	[sflag:s16] =	ssyncset.done $0x0  }
0x3d: {  	[sflag:s16] =	ssyncadd.s32 $0xFFFFE0C0  }
0x3e: {  	[spmem:s10] =	stream.linear.scatter [tilespmem:s28], [sflag:$0xB], $0x1F40, $0x38;
	[tilespmem:$0x1D880] =	vst v63  }
0x3f: {  	_ =	swait.ge [sflag:s16], $0x1F40  }
0x40: {  	[sflag:s16] =	ssyncset.done $0x0  }
0x41: {  	[sflag:s16] =	ssyncadd.s32 $0xFFFFE0C0  }
0x42: {  	[spmem:s11] =	stream.linear.scatter [tilespmem:s28], [sflag:$0xB], $0x1F00, $0x38;
	[tilespmem:$0x1D880] =	vst v63  }
0x43: {  	_ =	swait.ge [sflag:s16], $0x1F00  }
0x44: {  	[sflag:s16] =	ssyncset.done $0x0  }
0x45: {  	s5 =	simm.s32 @!p0 $0xA000;
	[sflag:s16] =	ssyncadd.s32 $0xFFFFE100  }
0x46: {  	[spmem:s12] =	stream.linear.scatter @!p0 [tilespmem:s5], [sflag:$0xB], $0x400, $0x38;
	[tilespmem:$0x1D880] =	vst v63  }
0x47: {  	s5 =	simm.s32 @!p0 $0xB  }
0x48: {  	_ =	swait.ge @!p0 [sflag:s5], $0x400  }
0x49: {  	[sflag:s5] =	ssyncset.done @!p0 $0x0  }
0x4a: {  	[sflag:s5] =	ssyncadd.s32 @!p0 $0xFFFFFC00  }
0x4b: {  	[tilespmem:s28], [sflag:$0x1] =	stream.indirect.gather [hbm4b:s6+s18], $0x40, s17, s18, $0xb8;
	[tilespmem:$0x1D880] =	vst v63  }
0x4c: {  	[bflag:$0x0] =	sbarrier.arrive $0xFFFF  }
0x4d: {  	_ =	swait.ge [sflag:s29], $0x1F40  }
0x4e: {  	[sflag:s29] =	ssyncset.done $0x0  }
0x4f: {  	s9 =	simm.s32 $0x0;
	[sflag:s29] =	ssyncadd.s32 $0xFFFFE0C0  }
0x50: {  	[spmem:s2] =	stream.indirect.scatter.add.f32 [tilespmem:s28], [sflag:$0x6], $0x40, s9, s18, $0xb8;
	[tilespmem:$0x1D880] =	vst v63  }
0x51: {  	_ =	swait.ge [sflag:s30], $0x1F40  }
0x52: {  	[sflag:s30] =	ssyncset.done $0x0  }
0x53: {  	s8 =	simm.s32 $0x80;
	[sflag:s30] =	ssyncadd.s32 $0xFFFFE0C0  }
0x54: {  	[spmem:s2] =	stream.indirect.scatter.add.f32 [tilespmem:s20], [sflag:$0x7], $0x40, s8, s18, $0xb8;
	[tilespmem:$0x1D880] =	vst v63  }
0x55: {  	_ =	swait.ge [sflag:s31], $0x1F40  }
0x56: {  	[sflag:s31] =	ssyncset.done $0x0  }
0x57: {  	s9 =	simm.s32 $0x100;
	[sflag:s31] =	ssyncadd.s32 $0xFFFFE0C0  }
0x58: {  	[spmem:s2] =	stream.indirect.scatter.add.f32 [tilespmem:s22], [sflag:$0x8], $0x40, s9, s18, $0xb8;
	[tilespmem:$0x1D880] =	vst v63  }
0x59: {  	_ =	swait.ge [sflag:s0], $0x1F40  }
0x5a: {  	[sflag:s0] =	ssyncset.done $0x0  }
0x5b: {  	s8 =	simm.s32 $0x180;
	[sflag:s0] =	ssyncadd.s32 $0xFFFFE0C0  }
0x5c: {  	[spmem:s2] =	stream.indirect.scatter.add.f32 [tilespmem:s24], [sflag:$0x9], $0x40, s8, s18, $0xb8;
	[tilespmem:$0x1D880] =	vst v63  }
0x5d: {  	_ =	swait.ge [sflag:s19], $0x1F40  }
0x5e: {  	[sflag:s19] =	ssyncset.done $0x0  }
0x5f: {  	s9 =	simm.s32 $0x200;
	[sflag:s19] =	ssyncadd.s32 $0xFFFFE0C0  }
0x60: {  	[spmem:s2] =	stream.indirect.scatter.add.f32 [tilespmem:s26], [sflag:$0xA], $0x40, s9, s18, $0xb8;
	[tilespmem:$0x1D880] =	vst v63  }
0x61: {  	_ =	swait.ge [sflag:s21], $0x1F40  }
0x62: {  	[sflag:s21] =	ssyncset.done $0x0  }
0x63: {  	s8 =	simm.s32 $0x5280;
	[sflag:s21] =	ssyncadd.s32 $0xFFFFE0C0  }
0x64: {  	[tilespmem:s28], [sflag:$0x1] =	stream.indirect.gather [hbm4b:s6+s18], $0x40, s8, s18, $0xb8;
	[tilespmem:$0x1D880] =	vst v63  }
0x65: {  	_ =	swait.ge [sflag:s23], $0x1F40  }
0x66: {  	[sflag:s23] =	ssyncset.done $0x0  }
0x67: {  	s9 =	simm.s32 $0x5300;
	[sflag:s23] =	ssyncadd.s32 $0xFFFFE0C0  }
0x68: {  	[tilespmem:s20], [sflag:$0x2] =	stream.indirect.gather [hbm4b:s6+s18], $0x40, s9, s18, $0xb8;
	[tilespmem:$0x1D880] =	vst v63  }
0x69: {  	_ =	swait.ge [sflag:s25], $0x1F40  }
0x6a: {  	[sflag:s25] =	ssyncset.done $0x0  }
0x6b: {  	s8 =	simm.s32 $0x5380;
	[sflag:s25] =	ssyncadd.s32 $0xFFFFE0C0  }
0x6c: {  	[tilespmem:s22], [sflag:$0x3] =	stream.indirect.gather [hbm4b:s6+s18], $0x40, s8, s18, $0xb8;
	[tilespmem:$0x1D880] =	vst v63  }
0x6d: {  	_ =	swait.ge [sflag:s1], $0x1F40  }
0x6e: {  	[sflag:s1] =	ssyncset.done $0x0  }
0x6f: {  	s9 =	simm.s32 $0x5400;
	[sflag:s1] =	ssyncadd.s32 $0xFFFFE0C0  }
0x70: {  	[tilespmem:s24], [sflag:$0x4] =	stream.indirect.gather [hbm4b:s6+s18], $0x40, s9, s18, $0xb8;
	[tilespmem:$0x1D880] =	vst v63  }
0x71: {  	_ =	swait.ge [sflag:s3], $0x1F40  }
0x72: {  	[sflag:s3] =	ssyncset.done $0x0  }
0x73: {  	s5 =	simm.s32 $0xA00;
	s8 =	simm.s32 $0x5480;
	[sflag:s3] =	ssyncadd.s32 $0xFFFFE0C0  }
.LBB2_4:
0x74: {  	[tilespmem:s26], [sflag:$0x5] =	stream.indirect.gather [hbm4b:s6+s18], $0x40, s8, s18, $0xb8;
	[tilespmem:$0x1D880] =	vst v63  }
0x75: {  	s8 =	smov.u32 s5  }
0x76: {  	p2 =	sne.s32 s5, $0x12C00;
	s5 =	sadd.s32 $0xA00, s5;
	_ =	swait.ge [sflag:s29], $0x1F40  }
0x77: {  	[sflag:s29] =	ssyncset.done $0x0  }
0x78: {  	s8 =	sshra.s32 s8, $0x2;
	[sflag:s29] =	ssyncadd.s32 $0xFFFFE0C0  }
0x79: {  	[spmem:s2] =	stream.indirect.scatter.add.f32 [tilespmem:s28], [sflag:$0x6], $0x40, s8, s18, $0xb8;
	[tilespmem:$0x1D880] =	vst v63  }
0x7a: {  	_ =	swait.ge [sflag:s30], $0x1F40  }
0x7b: {  	[sflag:s30] =	ssyncset.done $0x0  }
0x7c: {  	s9 =	sadd.s32 $0x80, s8;
	[sflag:s30] =	ssyncadd.s32 $0xFFFFE0C0  }
0x7d: {  	[spmem:s2] =	stream.indirect.scatter.add.f32 [tilespmem:s20], [sflag:$0x7], $0x40, s9, s18, $0xb8;
	[tilespmem:$0x1D880] =	vst v63  }
0x7e: {  	_ =	swait.ge [sflag:s31], $0x1F40  }
0x7f: {  	[sflag:s31] =	ssyncset.done $0x0  }
0x80: {  	s9 =	sadd.s32 $0x100, s8;
	[sflag:s31] =	ssyncadd.s32 $0xFFFFE0C0  }
0x81: {  	[spmem:s2] =	stream.indirect.scatter.add.f32 [tilespmem:s22], [sflag:$0x8], $0x40, s9, s18, $0xb8;
	[tilespmem:$0x1D880] =	vst v63  }
0x82: {  	_ =	swait.ge [sflag:s0], $0x1F40  }
0x83: {  	[sflag:s0] =	ssyncset.done $0x0  }
0x84: {  	s9 =	sadd.s32 $0x180, s8;
	[sflag:s0] =	ssyncadd.s32 $0xFFFFE0C0  }
0x85: {  	[spmem:s2] =	stream.indirect.scatter.add.f32 [tilespmem:s24], [sflag:$0x9], $0x40, s9, s18, $0xb8;
	[tilespmem:$0x1D880] =	vst v63  }
0x86: {  	_ =	swait.ge [sflag:s19], $0x1F40  }
0x87: {  	[sflag:s19] =	ssyncset.done $0x0  }
0x88: {  	s9 =	sadd.s32 $0x200, s8;
	[sflag:s19] =	ssyncadd.s32 $0xFFFFE0C0  }
0x89: {  	[spmem:s2] =	stream.indirect.scatter.add.f32 [tilespmem:s26], [sflag:$0xA], $0x40, s9, s18, $0xb8;
	[tilespmem:$0x1D880] =	vst v63  }
0x8a: {  	_ =	swait.ge [sflag:s21], $0x1F40  }
0x8b: {  	[sflag:s21] =	ssyncset.done $0x0  }
0x8c: {  	s9 =	sadd.s32 $0x5280, s8;
	[sflag:s21] =	ssyncadd.s32 $0xFFFFE0C0  }
0x8d: {  	[tilespmem:s28], [sflag:$0x1] =	stream.indirect.gather [hbm4b:s6+s18], $0x40, s9, s18, $0xb8;
	[tilespmem:$0x1D880] =	vst v63  }
0x8e: {  	_ =	swait.ge [sflag:s23], $0x1F40  }
0x8f: {  	[sflag:s23] =	ssyncset.done $0x0  }
0x90: {  	s9 =	sadd.s32 $0x5300, s8;
	[sflag:s23] =	ssyncadd.s32 $0xFFFFE0C0  }
0x91: {  	[tilespmem:s20], [sflag:$0x2] =	stream.indirect.gather [hbm4b:s6+s18], $0x40, s9, s18, $0xb8;
	[tilespmem:$0x1D880] =	vst v63  }
0x92: {  	_ =	swait.ge [sflag:s25], $0x1F40  }
0x93: {  	[sflag:s25] =	ssyncset.done $0x0  }
0x94: {  	s9 =	sadd.s32 $0x5380, s8;
	[sflag:s25] =	ssyncadd.s32 $0xFFFFE0C0  }
0x95: {  	[tilespmem:s22], [sflag:$0x3] =	stream.indirect.gather [hbm4b:s6+s18], $0x40, s9, s18, $0xb8;
	[tilespmem:$0x1D880] =	vst v63  }
0x96: {  	_ =	swait.ge [sflag:s1], $0x1F40  }
0x97: {  	[sflag:s1] =	ssyncset.done $0x0  }
.Ltmp1:
0x98: {  	s9 =	sadd.s32 $0x5400, s8;
	[sflag:s1] =	ssyncadd.s32 $0xFFFFE0C0;
	(pc) =	sbr.rel @p2 .LBB2_4-.Ltmp1, $4  }
0x99: {  	[tilespmem:s24], [sflag:$0x4] =	stream.indirect.gather [hbm4b:s6+s18], $0x40, s9, s18, $0xb8;
	[tilespmem:$0x1D880] =	vst v63  }
0x9a: {  	_ =	swait.ge [sflag:s3], $0x1F40  }
0x9b: {  	[sflag:s3] =	ssyncset.done $0x0  }
0x9c: {  	s8 =	sadd.s32 $0x5480, s8;
	[sflag:s3] =	ssyncadd.s32 $0xFFFFE0C0  }
0x9d: {  	[tilespmem:s26], [sflag:$0x5] =	stream.indirect.gather [hbm4b:s6+s18], $0x40, s8, s18, $0xb8;
	[tilespmem:$0x1D880] =	vst v63  }
0x9e: {  	_ =	swait.ge [sflag:s29], $0x1F40  }
0x9f: {  	[sflag:s29] =	ssyncset.done $0x0  }
0xa0: {  	s5 =	simm.s32 $0x4D80;
	[sflag:s29] =	ssyncadd.s32 $0xFFFFE0C0  }
0xa1: {  	[spmem:s2] =	stream.indirect.scatter.add.f32 [tilespmem:s28], [sflag:$0x6], $0x40, s5, s18, $0xb8;
	[tilespmem:$0x1D880] =	vst v63  }
0xa2: {  	_ =	swait.ge [sflag:s30], $0x1F40  }
0xa3: {  	[sflag:s30] =	ssyncset.done $0x0  }
0xa4: {  	s8 =	simm.s32 $0x4E00;
	[sflag:s30] =	ssyncadd.s32 $0xFFFFE0C0  }
0xa5: {  	[spmem:s2] =	stream.indirect.scatter.add.f32 [tilespmem:s20], [sflag:$0x7], $0x40, s8, s18, $0xb8;
	[tilespmem:$0x1D880] =	vst v63  }
0xa6: {  	_ =	swait.ge [sflag:s31], $0x1F40  }
0xa7: {  	[sflag:s31] =	ssyncset.done $0x0  }
0xa8: {  	s9 =	simm.s32 $0x4E80;
	[sflag:s31] =	ssyncadd.s32 $0xFFFFE0C0  }
0xa9: {  	[spmem:s2] =	stream.indirect.scatter.add.f32 [tilespmem:s22], [sflag:$0x8], $0x40, s9, s18, $0xb8;
	[tilespmem:$0x1D880] =	vst v63  }
0xaa: {  	_ =	swait.ge [sflag:s0], $0x1F40  }
0xab: {  	[sflag:s0] =	ssyncset.done $0x0  }
0xac: {  	s8 =	simm.s32 $0x4F00;
	[sflag:s0] =	ssyncadd.s32 $0xFFFFE0C0  }
0xad: {  	[spmem:s2] =	stream.indirect.scatter.add.f32 [tilespmem:s24], [sflag:$0x9], $0x40, s8, s18, $0xb8;
	[tilespmem:$0x1D880] =	vst v63  }
0xae: {  	_ =	swait.ge [sflag:s19], $0x1F40  }
0xaf: {  	[sflag:s19] =	ssyncset.done $0x0  }
0xb0: {  	s9 =	simm.s32 $0x4F80;
	[sflag:s19] =	ssyncadd.s32 $0xFFFFE0C0  }
0xb1: {  	[spmem:s2] =	stream.indirect.scatter.add.f32 [tilespmem:s26], [sflag:$0xA], $0x40, s9, s18, $0xb8;
	[tilespmem:$0x1D880] =	vst v63  }
0xb2: {  	_ =	swait.ge [sflag:s21], $0x1F40  }
0xb3: {  	[sflag:s21] =	ssyncset.done $0x0  }
0xb4: {  	[sflag:s21] =	ssyncadd.s32 $0xFFFFE0C0  }
0xb5: {  	_ =	swait.ge [sflag:s23], $0x1F40  }
0xb6: {  	[sflag:s23] =	ssyncset.done $0x0  }
0xb7: {  	[sflag:s23] =	ssyncadd.s32 $0xFFFFE0C0  }
0xb8: {  	_ =	swait.ge [sflag:s25], $0x1F40  }
0xb9: {  	[sflag:s25] =	ssyncset.done $0x0  }
0xba: {  	[sflag:s25] =	ssyncadd.s32 $0xFFFFE0C0  }
0xbb: {  	_ =	swait.ge [sflag:s1], $0x1F40  }
0xbc: {  	[sflag:s1] =	ssyncset.done $0x0  }
0xbd: {  	[sflag:s1] =	ssyncadd.s32 $0xFFFFE0C0  }
0xbe: {  	_ =	swait.ge [sflag:s3], $0x1F40  }
0xbf: {  	[sflag:s3] =	ssyncset.done $0x0  }
0xc0: {  	[sflag:s3] =	ssyncadd.s32 $0xFFFFE0C0  }
0xc1: {  	s5 =	sshrl.u32 @p1 s7, $0x3;
	s8 =	simm.s32 @p1 $0x1FCB;
	[bflag:$0x0] =	sbarrier.arrive $0xFFFF  }
0xc2: {  	[hbm:s14], [sflag:s8] =	dma.local @p1 [spmem:s5], $0x1400  }
0xc3: {  	s5 =	simm.s32 @p1 $0xB  }
0xc4: {  	s4 =	sadd.s32 $0x1, s4;
	s8 =	stileid.u32;
	_ =	swait.ge @p1 [sflag:s5], $0x1400  }
0xc5: {  	p2 =	sne.s32 s4, s15;
	s8 =	sshll.u32 @!p1 s8, $0x6;
	[sflag:s5] =	ssyncset.done @p1 $0x0  }
0xc6: {  	[sflag:s5] =	ssyncadd.s32 @p1 $0xFFFFEC00;
	s5 =	sor.u32 @!p1 $0x1C0B, s8;
	s8 =	sshrl.u32 @!p1 s7, $0x3  }
0xc7: {  	[hbm:s13], [sflag:s5] =	dma.local @!p1 [spmem:s8], $0x1380  }
.Ltmp2:
0xc8: {  	_ = 	snop;
	(pc) =	sbr.rel @p2 .LBB2_1-.Ltmp2, $4  }
0xc9: {  	s5 =	simm.s32 @!p1 $0xB  }
0xca: {  	_ =	swait.ge @!p1 [sflag:s5], $0x1380  }
0xcb: {  	[sflag:s5] =	ssyncset.done @!p1 $0x0  }
0xcc: {  	[sflag:s5] =	ssyncadd.s32 @!p1 $0xFFFFEC80  }
0xcd: {  	_ =	sfence.sel $0x180000  }
0xce: {  	[bflag:$0x0] =	sbarrier.arrive $0xFFFF  }
0xcf: {  	_ =	strace $0x90000047  }
0xd0: {  	s0 =	stileid.u32;
	[bflag:$0x2] =	sbarrier.arrive $0xFFFF  }
0xd1: {  	p0 =	sne.s32 s0, $0x0;
	s0 =	rddreg [dreg:$0x4]  }
0xd2: {  	s0 =	sadd.s32 @!p0 $0x100000, s0  }
0xd3: {  	[sflag:s0] =	ssyncadd.tile.s32 @!p0 $0x1;
	_ =	shalt  }
.Lfunc_end2:
_tile_overlayer_lowered:
.L_overlay_start_2:
0xd4: {  	(tag) =	ssettag $0x2  }
0xd5: {  	s0 =	rddreg [dreg:$0x0];
	s2 =	stileid.u32  }
0xd6: {  	s1 =	rddreg [dreg:$0x1];
	p0 =	sne.s32 s2, $0x0  }
0xd7: {  	s3 =	rddreg [dreg:$0x2];
	[bflag:$0x3] =	sbarrier.arrive $0xFFFF;
	s2 =	simm.s32 @!p0 $0x1C0B  }
0xd8: {  	[timem:s3], [sflag:s2] =	dma.local @!p0 [hbm:s0], s1  }
0xd9: {  	s0 =	simm.s32 @!p0 $0xB  }
0xda: {  	_ =	swait.ge @!p0 [sflag:s0], s1  }
0xdb: {  	s1 =	ssub.s32 @!p0 $0x0, s1;
	[sflag:s0] =	ssyncset.done @!p0 $0x0  }
0xdc: {  	[sflag:s0] =	ssyncadd.s32 @!p0 s1  }
0xdd: {  	[bflag:$0x3] =	sbarrier.arrive $0xFFFF  }
0xde: {  	_ =	shalt  }

</sc_bundles>
